<compile_context>
chip_gen: v7x
topology: tpu7x:2x2x1
jax: 0.10.2.dev20260603
libtpu: 0.0.44.dev20260713+nightly
codegen_flags: <defaults>
</compile_context>

<pallas_src>
import functools

import jax
import jax.numpy as jnp
from jax import lax
from jax.experimental import pallas as pl
from jax.experimental.pallas import tpu as pltpu
from jax.experimental.pallas import tpu_sc as plsc


def _tok_block_kernel(z_ref, cb_ref, tok_ref, ksq_ref):
    @pl.when((pl.program_id(0) == 0) & (pl.program_id(1) == 0))
    def _():
        cb0 = cb_ref[...]
        ksq_ref[...] = jnp.sum(cb0 * cb0, axis=1, keepdims=True)

    zb = z_ref[0]
    p = jnp.dot(cb_ref[...], zb, preferred_element_type=jnp.float32)
    s = zb * zb
    w = s.shape[0] // 2
    while w >= 1:
        s = (jax.lax.slice_in_dim(s, 0, w, axis=0)
             + jax.lax.slice_in_dim(s, w, 2 * w, axis=0))
        w //= 2
    d = (s - 2.0 * p) + ksq_ref[...]
    m = jnp.min(d, axis=0, keepdims=True)
    kk = d.shape[0]
    iota0 = jax.lax.broadcasted_iota(
        jnp.int32, d.shape, 0).astype(jnp.float32)
    tok_ref[0] = jnp.min(jnp.where(d == m, iota0, float(kk)), axis=0,
                         keepdims=True).astype(jnp.int32)


def _make_sc_gather(n, d, k):
    info = plsc.get_sparse_core_info()
    nc, ns, nl = info.num_cores, info.num_subcores, info.num_lanes
    nw = nc * ns
    assert d % nl == 0 and n % (8 * nw) == 0
    b_per_w = n // nw
    mesh = plsc.VectorSubcoreMesh(core_axis_name="c", subcore_axis_name="s")

    @functools.partial(
        pl.kernel,
        mesh=mesh,
        out_type=jax.ShapeDtypeStruct((n, 128), jnp.float32),
        scratch_types=[
            pltpu.VMEM((b_per_w,), jnp.int32),
            pltpu.VMEM((b_per_w // 2, 128), jnp.float32),
            pltpu.VMEM((b_per_w // 2, 128), jnp.float32),
            pltpu.VMEM_SHARED((k, 128), jnp.float32),
            pltpu.SemaphoreType.DMA,
            pltpu.SemaphoreType.DMA,
        ],
    )
    def gather(tok_hbm, cb_hbm, out_hbm, idx_v, rows0, rows1, cb_sp,
               sem0, sem1):
        wid = lax.axis_index("s") * nc + lax.axis_index("c")
        base = wid * b_per_w
        chunk = b_per_w // 2
        @pl.when(lax.axis_index("s") == 0)
        def _():
            pltpu.sync_copy(cb_hbm, cb_sp)
        plsc.subcore_barrier()
        pltpu.sync_copy(tok_hbm.at[pl.ds(base, b_per_w)], idx_v)
        rows = (rows0, rows1)
        sems = (sem0, sem1)
        cps = [pltpu.async_copy(
            cb_sp.at[idx_v.at[pl.ds(c * chunk, chunk)]],
            rows[c], sems[c]) for c in range(2)]
        for c in range(2):
            cps[c].wait()
            pltpu.sync_copy(rows[c],
                            out_hbm.at[pl.ds(base + c * chunk, chunk)])

    return gather


def kernel(z, codebook):
    b, d, t = z.shape
    k = codebook.shape[0]

    bt = 2048
    nslab = 4
    ts = t // nslab
    ns = b * ts
    cb_pad = jnp.pad(codebook, ((0, 0), (0, 128 - d)))
    gather = _make_sc_gather(ns, d, k)

    toks = []
    qs = []
    for s in range(nslab):
        tok_s = pl.pallas_call(
            _tok_block_kernel,
            grid=(b, ts // bt),
            in_specs=[
                pl.BlockSpec((1, d, bt),
                             lambda i, j, _s=s, _tb=ts // bt: (i, 0, j + _s * _tb)),
                pl.BlockSpec((k, d), lambda i, j: (0, 0)),
            ],
            out_specs=pl.BlockSpec((1, 1, bt),
                                   lambda i, j, _tb=ts // bt: (i * _tb + j, 0, 0)),
            out_shape=jax.ShapeDtypeStruct((ns // bt, 1, bt), jnp.int32),
            scratch_shapes=[pltpu.VMEM((k, 1), jnp.float32)],
        )(z, codebook)
        toks.append(tok_s.reshape(b, ts))
        qs.append(gather(tok_s.reshape(ns), cb_pad)[:, :d].reshape(b, ts, d))

    tok = jnp.concatenate(toks, axis=1)
    q = jnp.concatenate(qs, axis=1)
    return tok, q

# --- scband reference (transcript-rebuilt; emitter-appended) ---
"""Pipeline reference for scband-jukebox-tokenizer-19765439496439 (READ-ONLY COPY).

The authoritative reference and input builder live on the scoring server;
editing this copy changes nothing except your own understanding.
"""

import jax, jax.numpy as jnp
import numpy as np

B, D, T = 4, 64, 8192
K = 2048

def setup_inputs(seed: int = 0) -> dict:
    key = jax.random.key(seed)
    k1, k2 = jax.random.split(key)
    z = jax.random.normal(k1, (B, D, T), dtype=jnp.float32)
    # learned codebook (JukeboxBottleneckBlock.codebook / k), [K, code_dim]
    codebook = jax.random.normal(k2, (K, D), dtype=jnp.float32) * 0.02
    return {"z": z, "codebook": codebook}

def reference(z, codebook):
    # Faithful translation of JukeboxBottleneckBlock.encode applied to the
    # level-`lvl` encoder embeddings z: float32[B, code_dim, T] (channels-first,
    # as produced by jukebox_vqvae.encoders[lvl]).
    b, d, t = z.shape
    # preprocess: [B, D, T] -> [B*T, D]
    x = jnp.transpose(z, (0, 2, 1)).reshape(-1, d)
    # squared L2 distance to every codebook vector:
    # ||x||^2 - 2 x k^T + ||k||^2
    x_sq = jnp.sum(x * x, axis=1, keepdims=True)            # [N, 1]
    k_sq = jnp.sum(codebook * codebook, axis=1)             # [K]
    distances = x_sq - 2.0 * (x @ codebook.T) + k_sq[None, :]  # [N, K]
    music_tokens = jnp.argmin(distances, axis=1)            # [N] int
    # dequantize (codebook gather) as in bottleneck forward
    quantized = jnp.take(codebook, music_tokens, axis=0)    # [N, D]
    music_tokens = music_tokens.reshape(b, t)
    quantized = quantized.reshape(b, t, d)
    return music_tokens, quantized

if __name__ == "__main__":
    import jax
    _d = setup_inputs()
    print(jax.jit(kernel)(*tuple(_d.values())))

</pallas_src>

<mosaic_0001>
#map = affine_map<(d0, d1) -> (0)>
#map1 = affine_map<(d0, d1) -> (0, 0)>
module attributes {stable_mosaic.version = 14 : i64} {
  func.func @gather(%arg0: i32, %arg1: i32, %arg2: memref<8192xi32, #tpu.memory_space<hbm>>, %arg3: memref<2048x128xf32, #tpu.memory_space<hbm>>, %arg4: memref<8192x128xf32, #tpu.memory_space<hbm>>, %arg5: memref<256xi32, #tpu.memory_space<vmem>>, %arg6: memref<128x128xf32, #tpu.memory_space<vmem>>, %arg7: memref<128x128xf32, #tpu.memory_space<vmem>>, %arg8: memref<2048x128xf32, #tpu.memory_space<vmem_shared>>, %arg9: memref<!tpu.dma_semaphore, #tpu.memory_space<semaphore_mem>>, %arg10: memref<!tpu.dma_semaphore, #tpu.memory_space<semaphore_mem>>) attributes {dimension_semantics = [#tpu.dimension_semantics<core_parallel>, #tpu.dimension_semantics<subcore_parallel>], iteration_bounds = array<i64: 2, 16>, scalar_prefetch = 0 : i64, scratch_operands = 6 : i64, tpu.core_type = #tpu.core_type<sc_vector_subcore>, window_params = [{transform_indices = #map}, {transform_indices = #map1}, {transform_indices = #map1}]} {
    %mul3A = arith.constant 2 : i32
    %mul3A_0 = arith.muli %arg1, %mul3A : i32
    %add3A = arith.addi %mul3A_0, %arg0 : i32
    %mul3A_1 = arith.constant 256 : i32
    %mul3A_2 = arith.muli %add3A, %mul3A_1 : i32
    %eq3A = arith.constant 0 : i32
    %eq3A_3 = arith.cmpi eq, %arg1, %eq3A : i32
    %convert_element_type3A = arith.extui %eq3A_3 : i1 to i32
    %cond3A = arith.constant 0 : i32
    %cond3A_4 = arith.cmpi ne, %convert_element_type3A, %cond3A : i32
    scf.if %cond3A_4 {
      "tpu.region"() ({
        %run_scoped3A = tpu.sem_alloc : memref<!tpu.dma_semaphore, #tpu.memory_space<semaphore_mem>>
        tpu.enqueue_dma source(%arg3 : memref<2048x128xf32, #tpu.memory_space<hbm>>) target(%arg8 : memref<2048x128xf32, #tpu.memory_space<vmem_shared>>) target_semaphore(%run_scoped3A : memref<!tpu.dma_semaphore, #tpu.memory_space<semaphore_mem>>)
        tpu.wait_dma2 semaphore(%run_scoped3A : memref<!tpu.dma_semaphore, #tpu.memory_space<semaphore_mem>>) src(%arg3 : memref<2048x128xf32, #tpu.memory_space<hbm>>) dst(%arg8 : memref<2048x128xf32, #tpu.memory_space<vmem_shared>>)
        tpu.yield
      }) : () -> ()
    } else {
    }
    %barrier3A = arith.constant 0 : index
    tpu.barrier barrier_id(%barrier3A)
    "tpu.region"() ({
      %run_scoped3A = tpu.sem_alloc : memref<!tpu.dma_semaphore, #tpu.memory_space<semaphore_mem>>
      %dma_start3A_27 = tpu.memref_slice %arg2[%mul3A_2] : memref<8192xi32, #tpu.memory_space<hbm>> -> memref<256xi32, #tpu.memory_space<hbm>>
      %dma_start3A_28 = tpu.memref_slice %arg2[%mul3A_2] : memref<8192xi32, #tpu.memory_space<hbm>> -> memref<256xi32, #tpu.memory_space<hbm>>
      tpu.enqueue_dma source(%dma_start3A_28 : memref<256xi32, #tpu.memory_space<hbm>>) target(%arg5 : memref<256xi32, #tpu.memory_space<vmem>>) target_semaphore(%run_scoped3A : memref<!tpu.dma_semaphore, #tpu.memory_space<semaphore_mem>>)
      %dma_wait3A_29 = tpu.memref_slice %arg2[%mul3A_2] : memref<8192xi32, #tpu.memory_space<hbm>> -> memref<256xi32, #tpu.memory_space<hbm>>
      %dma_wait3A_30 = tpu.memref_slice %arg2[%mul3A_2] : memref<8192xi32, #tpu.memory_space<hbm>> -> memref<256xi32, #tpu.memory_space<hbm>>
      tpu.wait_dma2 semaphore(%run_scoped3A : memref<!tpu.dma_semaphore, #tpu.memory_space<semaphore_mem>>) src(%dma_wait3A_30 : memref<256xi32, #tpu.memory_space<hbm>>) dst(%arg5 : memref<256xi32, #tpu.memory_space<vmem>>)
      tpu.yield
    }) : () -> ()
    %dma_start3A = arith.constant 0 : i32
    %dma_start3A_5 = tpu.memref_slice %arg5[%dma_start3A] : memref<256xi32, #tpu.memory_space<vmem>> -> memref<128xi32, #tpu.memory_space<vmem>>
    %dma_start3A_6 = arith.constant 0 : i32
    %dma_start3A_7 = arith.constant 0 : i32
    %dma_start3A_8 = tpu.memref_slice %arg8[%dma_start3A_6, %dma_start3A_7] : memref<2048x128xf32, #tpu.memory_space<vmem_shared>> -> memref<2048x128xf32, #tpu.memory_space<vmem_shared>>
    tpu.enqueue_indirect_dma source(%dma_start3A_8 : memref<2048x128xf32, #tpu.memory_space<vmem_shared>>) target(%arg6 : memref<128x128xf32, #tpu.memory_space<vmem>>) offsets(%dma_start3A_5 : memref<128xi32, #tpu.memory_space<vmem>>) semaphore(%arg9 : memref<!tpu.dma_semaphore, #tpu.memory_space<semaphore_mem>>)
    %dma_start3A_9 = arith.constant 128 : i32
    %dma_start3A_10 = tpu.memref_slice %arg5[%dma_start3A_9] : memref<256xi32, #tpu.memory_space<vmem>> -> memref<128xi32, #tpu.memory_space<vmem>>
    %dma_start3A_11 = arith.constant 0 : i32
    %dma_start3A_12 = arith.constant 0 : i32
    %dma_start3A_13 = tpu.memref_slice %arg8[%dma_start3A_11, %dma_start3A_12] : memref<2048x128xf32, #tpu.memory_space<vmem_shared>> -> memref<2048x128xf32, #tpu.memory_space<vmem_shared>>
    tpu.enqueue_indirect_dma source(%dma_start3A_13 : memref<2048x128xf32, #tpu.memory_space<vmem_shared>>) target(%arg7 : memref<128x128xf32, #tpu.memory_space<vmem>>) offsets(%dma_start3A_10 : memref<128xi32, #tpu.memory_space<vmem>>) semaphore(%arg10 : memref<!tpu.dma_semaphore, #tpu.memory_space<semaphore_mem>>)
    %dma_wait3A = arith.constant 0 : i32
    %dma_wait3A_14 = tpu.memref_slice %arg5[%dma_wait3A] : memref<256xi32, #tpu.memory_space<vmem>> -> memref<128xi32, #tpu.memory_space<vmem>>
    %dma_wait3A_15 = arith.constant 0 : i32
    %dma_wait3A_16 = arith.constant 0 : i32
    %dma_wait3A_17 = tpu.memref_slice %arg8[%dma_wait3A_15, %dma_wait3A_16] : memref<2048x128xf32, #tpu.memory_space<vmem_shared>> -> memref<2048x128xf32, #tpu.memory_space<vmem_shared>>
    tpu.wait_indirect_dma semaphore(%arg9 : memref<!tpu.dma_semaphore, #tpu.memory_space<semaphore_mem>>) src(%dma_wait3A_17 : memref<2048x128xf32, #tpu.memory_space<vmem_shared>>) dst(%arg6 : memref<128x128xf32, #tpu.memory_space<vmem>>)
    %add3A_18 = arith.constant 0 : i32
    %add3A_19 = arith.addi %mul3A_2, %add3A_18 : i32
    "tpu.region"() ({
      %run_scoped3A = tpu.sem_alloc : memref<!tpu.dma_semaphore, #tpu.memory_space<semaphore_mem>>
      %dma_start3A_27 = arith.constant 0 : i32
      %dma_start3A_28 = tpu.memref_slice %arg4[%add3A_19, %dma_start3A_27] : memref<8192x128xf32, #tpu.memory_space<hbm>> -> memref<128x128xf32, #tpu.memory_space<hbm>>
      %dma_start3A_29 = arith.constant 0 : i32
      %dma_start3A_30 = tpu.memref_slice %arg4[%add3A_19, %dma_start3A_29] : memref<8192x128xf32, #tpu.memory_space<hbm>> -> memref<128x128xf32, #tpu.memory_space<hbm>>
      tpu.enqueue_dma source(%arg6 : memref<128x128xf32, #tpu.memory_space<vmem>>) target(%dma_start3A_30 : memref<128x128xf32, #tpu.memory_space<hbm>>) target_semaphore(%run_scoped3A : memref<!tpu.dma_semaphore, #tpu.memory_space<semaphore_mem>>)
      %dma_wait3A_31 = arith.constant 0 : i32
      %dma_wait3A_32 = tpu.memref_slice %arg4[%add3A_19, %dma_wait3A_31] : memref<8192x128xf32, #tpu.memory_space<hbm>> -> memref<128x128xf32, #tpu.memory_space<hbm>>
      %dma_wait3A_33 = arith.constant 0 : i32
      %dma_wait3A_34 = tpu.memref_slice %arg4[%add3A_19, %dma_wait3A_33] : memref<8192x128xf32, #tpu.memory_space<hbm>> -> memref<128x128xf32, #tpu.memory_space<hbm>>
      tpu.wait_dma2 semaphore(%run_scoped3A : memref<!tpu.dma_semaphore, #tpu.memory_space<semaphore_mem>>) src(%arg6 : memref<128x128xf32, #tpu.memory_space<vmem>>) dst(%dma_wait3A_34 : memref<128x128xf32, #tpu.memory_space<hbm>>)
      tpu.yield
    }) : () -> ()
    %dma_wait3A_20 = arith.constant 128 : i32
    %dma_wait3A_21 = tpu.memref_slice %arg5[%dma_wait3A_20] : memref<256xi32, #tpu.memory_space<vmem>> -> memref<128xi32, #tpu.memory_space<vmem>>
    %dma_wait3A_22 = arith.constant 0 : i32
    %dma_wait3A_23 = arith.constant 0 : i32
    %dma_wait3A_24 = tpu.memref_slice %arg8[%dma_wait3A_22, %dma_wait3A_23] : memref<2048x128xf32, #tpu.memory_space<vmem_shared>> -> memref<2048x128xf32, #tpu.memory_space<vmem_shared>>
    tpu.wait_indirect_dma semaphore(%arg10 : memref<!tpu.dma_semaphore, #tpu.memory_space<semaphore_mem>>) src(%dma_wait3A_24 : memref<2048x128xf32, #tpu.memory_space<vmem_shared>>) dst(%arg7 : memref<128x128xf32, #tpu.memory_space<vmem>>)
    %add3A_25 = arith.constant 128 : i32
    %add3A_26 = arith.addi %mul3A_2, %add3A_25 : i32
    "tpu.region"() ({
      %run_scoped3A = tpu.sem_alloc : memref<!tpu.dma_semaphore, #tpu.memory_space<semaphore_mem>>
      %dma_start3A_27 = arith.constant 0 : i32
      %dma_start3A_28 = tpu.memref_slice %arg4[%add3A_26, %dma_start3A_27] : memref<8192x128xf32, #tpu.memory_space<hbm>> -> memref<128x128xf32, #tpu.memory_space<hbm>>
      %dma_start3A_29 = arith.constant 0 : i32
      %dma_start3A_30 = tpu.memref_slice %arg4[%add3A_26, %dma_start3A_29] : memref<8192x128xf32, #tpu.memory_space<hbm>> -> memref<128x128xf32, #tpu.memory_space<hbm>>
      tpu.enqueue_dma source(%arg7 : memref<128x128xf32, #tpu.memory_space<vmem>>) target(%dma_start3A_30 : memref<128x128xf32, #tpu.memory_space<hbm>>) target_semaphore(%run_scoped3A : memref<!tpu.dma_semaphore, #tpu.memory_space<semaphore_mem>>)
      %dma_wait3A_31 = arith.constant 0 : i32
      %dma_wait3A_32 = tpu.memref_slice %arg4[%add3A_26, %dma_wait3A_31] : memref<8192x128xf32, #tpu.memory_space<hbm>> -> memref<128x128xf32, #tpu.memory_space<hbm>>
      %dma_wait3A_33 = arith.constant 0 : i32
      %dma_wait3A_34 = tpu.memref_slice %arg4[%add3A_26, %dma_wait3A_33] : memref<8192x128xf32, #tpu.memory_space<hbm>> -> memref<128x128xf32, #tpu.memory_space<hbm>>
      tpu.wait_dma2 semaphore(%run_scoped3A : memref<!tpu.dma_semaphore, #tpu.memory_space<semaphore_mem>>) src(%arg7 : memref<128x128xf32, #tpu.memory_space<vmem>>) dst(%dma_wait3A_34 : memref<128x128xf32, #tpu.memory_space<hbm>>)
      tpu.yield
    }) : () -> ()
    return
  }
}

#map = affine_map<(d0, d1) -> (0)>
#map1 = affine_map<(d0, d1) -> (0, 0)>
module attributes {stable_mosaic.version = 14 : i64} {
  func.func @gather(%arg0: i32, %arg1: i32, %arg2: memref<8192xi32, #tpu.memory_space<hbm>>, %arg3: memref<2048x128xf32, #tpu.memory_space<hbm>>, %arg4: memref<8192x128xf32, #tpu.memory_space<hbm>>, %arg5: memref<256xi32, #tpu.memory_space<vmem>>, %arg6: memref<128x128xf32, #tpu.memory_space<vmem>>, %arg7: memref<128x128xf32, #tpu.memory_space<vmem>>, %arg8: memref<2048x128xf32, #tpu.memory_space<vmem_shared>>, %arg9: memref<!tpu.dma_semaphore, #tpu.memory_space<semaphore_mem>>, %arg10: memref<!tpu.dma_semaphore, #tpu.memory_space<semaphore_mem>>) attributes {dimension_semantics = [#tpu.dimension_semantics<core_parallel>, #tpu.dimension_semantics<subcore_parallel>], iteration_bounds = array<i64: 2, 16>, scalar_prefetch = 0 : i64, scratch_operands = 6 : i64, tpu.core_type = #tpu.core_type<sc_vector_subcore>, window_params = [{transform_indices = #map}, {transform_indices = #map1}, {transform_indices = #map1}]} {
    %mul3A = arith.constant 2 : i32
    %mul3A_0 = arith.muli %arg1, %mul3A : i32
    %add3A = arith.addi %mul3A_0, %arg0 : i32
    %mul3A_1 = arith.constant 256 : i32
    %mul3A_2 = arith.muli %add3A, %mul3A_1 : i32
    %eq3A = arith.constant 0 : i32
    %eq3A_3 = arith.cmpi eq, %arg1, %eq3A : i32
    %convert_element_type3A = arith.extui %eq3A_3 : i1 to i32
    %cond3A = arith.constant 0 : i32
    %cond3A_4 = arith.cmpi ne, %convert_element_type3A, %cond3A : i32
    scf.if %cond3A_4 {
      "tpu.region"() ({
        %run_scoped3A = tpu.sem_alloc : memref<!tpu.dma_semaphore, #tpu.memory_space<semaphore_mem>>
        tpu.enqueue_dma source(%arg3 : memref<2048x128xf32, #tpu.memory_space<hbm>>) target(%arg8 : memref<2048x128xf32, #tpu.memory_space<vmem_shared>>) target_semaphore(%run_scoped3A : memref<!tpu.dma_semaphore, #tpu.memory_space<semaphore_mem>>)
        tpu.wait_dma2 semaphore(%run_scoped3A : memref<!tpu.dma_semaphore, #tpu.memory_space<semaphore_mem>>) src(%arg3 : memref<2048x128xf32, #tpu.memory_space<hbm>>) dst(%arg8 : memref<2048x128xf32, #tpu.memory_space<vmem_shared>>)
        tpu.yield
      }) : () -> ()
    } else {
    }
    %barrier3A = arith.constant 0 : index
    tpu.barrier barrier_id(%barrier3A)
    "tpu.region"() ({
      %run_scoped3A = tpu.sem_alloc : memref<!tpu.dma_semaphore, #tpu.memory_space<semaphore_mem>>
      %dma_start3A_27 = tpu.memref_slice %arg2[%mul3A_2] : memref<8192xi32, #tpu.memory_space<hbm>> -> memref<256xi32, #tpu.memory_space<hbm>>
      %dma_start3A_28 = tpu.memref_slice %arg2[%mul3A_2] : memref<8192xi32, #tpu.memory_space<hbm>> -> memref<256xi32, #tpu.memory_space<hbm>>
      tpu.enqueue_dma source(%dma_start3A_28 : memref<256xi32, #tpu.memory_space<hbm>>) target(%arg5 : memref<256xi32, #tpu.memory_space<vmem>>) target_semaphore(%run_scoped3A : memref<!tpu.dma_semaphore, #tpu.memory_space<semaphore_mem>>)
      %dma_wait3A_29 = tpu.memref_slice %arg2[%mul3A_2] : memref<8192xi32, #tpu.memory_space<hbm>> -> memref<256xi32, #tpu.memory_space<hbm>>
      %dma_wait3A_30 = tpu.memref_slice %arg2[%mul3A_2] : memref<8192xi32, #tpu.memory_space<hbm>> -> memref<256xi32, #tpu.memory_space<hbm>>
      tpu.wait_dma2 semaphore(%run_scoped3A : memref<!tpu.dma_semaphore, #tpu.memory_space<semaphore_mem>>) src(%dma_wait3A_30 : memref<256xi32, #tpu.memory_space<hbm>>) dst(%arg5 : memref<256xi32, #tpu.memory_space<vmem>>)
      tpu.yield
    }) : () -> ()
    %dma_start3A = arith.constant 0 : i32
    %dma_start3A_5 = tpu.memref_slice %arg5[%dma_start3A] : memref<256xi32, #tpu.memory_space<vmem>> -> memref<128xi32, #tpu.memory_space<vmem>>
    %dma_start3A_6 = arith.constant 0 : i32
    %dma_start3A_7 = arith.constant 0 : i32
    %dma_start3A_8 = tpu.memref_slice %arg8[%dma_start3A_6, %dma_start3A_7] : memref<2048x128xf32, #tpu.memory_space<vmem_shared>> -> memref<2048x128xf32, #tpu.memory_space<vmem_shared>>
    tpu.enqueue_indirect_dma source(%dma_start3A_8 : memref<2048x128xf32, #tpu.memory_space<vmem_shared>>) target(%arg6 : memref<128x128xf32, #tpu.memory_space<vmem>>) offsets(%dma_start3A_5 : memref<128xi32, #tpu.memory_space<vmem>>) semaphore(%arg9 : memref<!tpu.dma_semaphore, #tpu.memory_space<semaphore_mem>>)
    %dma_start3A_9 = arith.constant 128 : i32
    %dma_start3A_10 = tpu.memref_slice %arg5[%dma_start3A_9] : memref<256xi32, #tpu.memory_space<vmem>> -> memref<128xi32, #tpu.memory_space<vmem>>
    %dma_start3A_11 = arith.constant 0 : i32
    %dma_start3A_12 = arith.constant 0 : i32
    %dma_start3A_13 = tpu.memref_slice %arg8[%dma_start3A_11, %dma_start3A_12] : memref<2048x128xf32, #tpu.memory_space<vmem_shared>> -> memref<2048x128xf32, #tpu.memory_space<vmem_shared>>
    tpu.enqueue_indirect_dma source(%dma_start3A_13 : memref<2048x128xf32, #tpu.memory_space<vmem_shared>>) target(%arg7 : memref<128x128xf32, #tpu.memory_space<vmem>>) offsets(%dma_start3A_10 : memref<128xi32, #tpu.memory_space<vmem>>) semaphore(%arg10 : memref<!tpu.dma_semaphore, #tpu.memory_space<semaphore_mem>>)
    %dma_wait3A = arith.constant 0 : i32
    %dma_wait3A_14 = tpu.memref_slice %arg5[%dma_wait3A] : memref<256xi32, #tpu.memory_space<vmem>> -> memref<128xi32, #tpu.memory_space<vmem>>
    %dma_wait3A_15 = arith.constant 0 : i32
    %dma_wait3A_16 = arith.constant 0 : i32
    %dma_wait3A_17 = tpu.memref_slice %arg8[%dma_wait3A_15, %dma_wait3A_16] : memref<2048x128xf32, #tpu.memory_space<vmem_shared>> -> memref<2048x128xf32, #tpu.memory_space<vmem_shared>>
    tpu.wait_indirect_dma semaphore(%arg9 : memref<!tpu.dma_semaphore, #tpu.memory_space<semaphore_mem>>) src(%dma_wait3A_17 : memref<2048x128xf32, #tpu.memory_space<vmem_shared>>) dst(%arg6 : memref<128x128xf32, #tpu.memory_space<vmem>>)
    %add3A_18 = arith.constant 0 : i32
    %add3A_19 = arith.addi %mul3A_2, %add3A_18 : i32
    "tpu.region"() ({
      %run_scoped3A = tpu.sem_alloc : memref<!tpu.dma_semaphore, #tpu.memory_space<semaphore_mem>>
      %dma_start3A_27 = arith.constant 0 : i32
      %dma_start3A_28 = tpu.memref_slice %arg4[%add3A_19, %dma_start3A_27] : memref<8192x128xf32, #tpu.memory_space<hbm>> -> memref<128x128xf32, #tpu.memory_space<hbm>>
      %dma_start3A_29 = arith.constant 0 : i32
      %dma_start3A_30 = tpu.memref_slice %arg4[%add3A_19, %dma_start3A_29] : memref<8192x128xf32, #tpu.memory_space<hbm>> -> memref<128x128xf32, #tpu.memory_space<hbm>>
      tpu.enqueue_dma source(%arg6 : memref<128x128xf32, #tpu.memory_space<vmem>>) target(%dma_start3A_30 : memref<128x128xf32, #tpu.memory_space<hbm>>) target_semaphore(%run_scoped3A : memref<!tpu.dma_semaphore, #tpu.memory_space<semaphore_mem>>)
      %dma_wait3A_31 = arith.constant 0 : i32
      %dma_wait3A_32 = tpu.memref_slice %arg4[%add3A_19, %dma_wait3A_31] : memref<8192x128xf32, #tpu.memory_space<hbm>> -> memref<128x128xf32, #tpu.memory_space<hbm>>
      %dma_wait3A_33 = arith.constant 0 : i32
      %dma_wait3A_34 = tpu.memref_slice %arg4[%add3A_19, %dma_wait3A_33] : memref<8192x128xf32, #tpu.memory_space<hbm>> -> memref<128x128xf32, #tpu.memory_space<hbm>>
      tpu.wait_dma2 semaphore(%run_scoped3A : memref<!tpu.dma_semaphore, #tpu.memory_space<semaphore_mem>>) src(%arg6 : memref<128x128xf32, #tpu.memory_space<vmem>>) dst(%dma_wait3A_34 : memref<128x128xf32, #tpu.memory_space<hbm>>)
      tpu.yield
    }) : () -> ()
    %dma_wait3A_20 = arith.constant 128 : i32
    %dma_wait3A_21 = tpu.memref_slice %arg5[%dma_wait3A_20] : memref<256xi32, #tpu.memory_space<vmem>> -> memref<128xi32, #tpu.memory_space<vmem>>
    %dma_wait3A_22 = arith.constant 0 : i32
    %dma_wait3A_23 = arith.constant 0 : i32
    %dma_wait3A_24 = tpu.memref_slice %arg8[%dma_wait3A_22, %dma_wait3A_23] : memref<2048x128xf32, #tpu.memory_space<vmem_shared>> -> memref<2048x128xf32, #tpu.memory_space<vmem_shared>>
    tpu.wait_indirect_dma semaphore(%arg10 : memref<!tpu.dma_semaphore, #tpu.memory_space<semaphore_mem>>) src(%dma_wait3A_24 : memref<2048x128xf32, #tpu.memory_space<vmem_shared>>) dst(%arg7 : memref<128x128xf32, #tpu.memory_space<vmem>>)
    %add3A_25 = arith.constant 128 : i32
    %add3A_26 = arith.addi %mul3A_2, %add3A_25 : i32
    "tpu.region"() ({
      %run_scoped3A = tpu.sem_alloc : memref<!tpu.dma_semaphore, #tpu.memory_space<semaphore_mem>>
      %dma_start3A_27 = arith.constant 0 : i32
      %dma_start3A_28 = tpu.memref_slice %arg4[%add3A_26, %dma_start3A_27] : memref<8192x128xf32, #tpu.memory_space<hbm>> -> memref<128x128xf32, #tpu.memory_space<hbm>>
      %dma_start3A_29 = arith.constant 0 : i32
      %dma_start3A_30 = tpu.memref_slice %arg4[%add3A_26, %dma_start3A_29] : memref<8192x128xf32, #tpu.memory_space<hbm>> -> memref<128x128xf32, #tpu.memory_space<hbm>>
      tpu.enqueue_dma source(%arg7 : memref<128x128xf32, #tpu.memory_space<vmem>>) target(%dma_start3A_30 : memref<128x128xf32, #tpu.memory_space<hbm>>) target_semaphore(%run_scoped3A : memref<!tpu.dma_semaphore, #tpu.memory_space<semaphore_mem>>)
      %dma_wait3A_31 = arith.constant 0 : i32
      %dma_wait3A_32 = tpu.memref_slice %arg4[%add3A_26, %dma_wait3A_31] : memref<8192x128xf32, #tpu.memory_space<hbm>> -> memref<128x128xf32, #tpu.memory_space<hbm>>
      %dma_wait3A_33 = arith.constant 0 : i32
      %dma_wait3A_34 = tpu.memref_slice %arg4[%add3A_26, %dma_wait3A_33] : memref<8192x128xf32, #tpu.memory_space<hbm>> -> memref<128x128xf32, #tpu.memory_space<hbm>>
      tpu.wait_dma2 semaphore(%run_scoped3A : memref<!tpu.dma_semaphore, #tpu.memory_space<semaphore_mem>>) src(%arg7 : memref<128x128xf32, #tpu.memory_space<vmem>>) dst(%dma_wait3A_34 : memref<128x128xf32, #tpu.memory_space<hbm>>)
      tpu.yield
    }) : () -> ()
    return
  }
}

#map = affine_map<(d0, d1) -> (0)>
#map1 = affine_map<(d0, d1) -> (0, 0)>
module attributes {stable_mosaic.version = 14 : i64} {
  func.func @gather(%arg0: i32, %arg1: i32, %arg2: memref<8192xi32, #tpu.memory_space<hbm>>, %arg3: memref<2048x128xf32, #tpu.memory_space<hbm>>, %arg4: memref<8192x128xf32, #tpu.memory_space<hbm>>, %arg5: memref<256xi32, #tpu.memory_space<vmem>>, %arg6: memref<128x128xf32, #tpu.memory_space<vmem>>, %arg7: memref<128x128xf32, #tpu.memory_space<vmem>>, %arg8: memref<2048x128xf32, #tpu.memory_space<vmem_shared>>, %arg9: memref<!tpu.dma_semaphore, #tpu.memory_space<semaphore_mem>>, %arg10: memref<!tpu.dma_semaphore, #tpu.memory_space<semaphore_mem>>) attributes {dimension_semantics = [#tpu.dimension_semantics<core_parallel>, #tpu.dimension_semantics<subcore_parallel>], iteration_bounds = array<i64: 2, 16>, scalar_prefetch = 0 : i64, scratch_operands = 6 : i64, tpu.core_type = #tpu.core_type<sc_vector_subcore>, window_params = [{transform_indices = #map}, {transform_indices = #map1}, {transform_indices = #map1}]} {
    %mul3A = arith.constant 2 : i32
    %mul3A_0 = arith.muli %arg1, %mul3A : i32
    %add3A = arith.addi %mul3A_0, %arg0 : i32
    %mul3A_1 = arith.constant 256 : i32
    %mul3A_2 = arith.muli %add3A, %mul3A_1 : i32
    %eq3A = arith.constant 0 : i32
    %eq3A_3 = arith.cmpi eq, %arg1, %eq3A : i32
    %convert_element_type3A = arith.extui %eq3A_3 : i1 to i32
    %cond3A = arith.constant 0 : i32
    %cond3A_4 = arith.cmpi ne, %convert_element_type3A, %cond3A : i32
    scf.if %cond3A_4 {
      "tpu.region"() ({
        %run_scoped3A = tpu.sem_alloc : memref<!tpu.dma_semaphore, #tpu.memory_space<semaphore_mem>>
        tpu.enqueue_dma source(%arg3 : memref<2048x128xf32, #tpu.memory_space<hbm>>) target(%arg8 : memref<2048x128xf32, #tpu.memory_space<vmem_shared>>) target_semaphore(%run_scoped3A : memref<!tpu.dma_semaphore, #tpu.memory_space<semaphore_mem>>)
        tpu.wait_dma2 semaphore(%run_scoped3A : memref<!tpu.dma_semaphore, #tpu.memory_space<semaphore_mem>>) src(%arg3 : memref<2048x128xf32, #tpu.memory_space<hbm>>) dst(%arg8 : memref<2048x128xf32, #tpu.memory_space<vmem_shared>>)
        tpu.yield
      }) : () -> ()
    } else {
    }
    %barrier3A = arith.constant 0 : index
    tpu.barrier barrier_id(%barrier3A)
    "tpu.region"() ({
      %run_scoped3A = tpu.sem_alloc : memref<!tpu.dma_semaphore, #tpu.memory_space<semaphore_mem>>
      %dma_start3A_27 = tpu.memref_slice %arg2[%mul3A_2] : memref<8192xi32, #tpu.memory_space<hbm>> -> memref<256xi32, #tpu.memory_space<hbm>>
      %dma_start3A_28 = tpu.memref_slice %arg2[%mul3A_2] : memref<8192xi32, #tpu.memory_space<hbm>> -> memref<256xi32, #tpu.memory_space<hbm>>
      tpu.enqueue_dma source(%dma_start3A_28 : memref<256xi32, #tpu.memory_space<hbm>>) target(%arg5 : memref<256xi32, #tpu.memory_space<vmem>>) target_semaphore(%run_scoped3A : memref<!tpu.dma_semaphore, #tpu.memory_space<semaphore_mem>>)
      %dma_wait3A_29 = tpu.memref_slice %arg2[%mul3A_2] : memref<8192xi32, #tpu.memory_space<hbm>> -> memref<256xi32, #tpu.memory_space<hbm>>
      %dma_wait3A_30 = tpu.memref_slice %arg2[%mul3A_2] : memref<8192xi32, #tpu.memory_space<hbm>> -> memref<256xi32, #tpu.memory_space<hbm>>
      tpu.wait_dma2 semaphore(%run_scoped3A : memref<!tpu.dma_semaphore, #tpu.memory_space<semaphore_mem>>) src(%dma_wait3A_30 : memref<256xi32, #tpu.memory_space<hbm>>) dst(%arg5 : memref<256xi32, #tpu.memory_space<vmem>>)
      tpu.yield
    }) : () -> ()
    %dma_start3A = arith.constant 0 : i32
    %dma_start3A_5 = tpu.memref_slice %arg5[%dma_start3A] : memref<256xi32, #tpu.memory_space<vmem>> -> memref<128xi32, #tpu.memory_space<vmem>>
    %dma_start3A_6 = arith.constant 0 : i32
    %dma_start3A_7 = arith.constant 0 : i32
    %dma_start3A_8 = tpu.memref_slice %arg8[%dma_start3A_6, %dma_start3A_7] : memref<2048x128xf32, #tpu.memory_space<vmem_shared>> -> memref<2048x128xf32, #tpu.memory_space<vmem_shared>>
    tpu.enqueue_indirect_dma source(%dma_start3A_8 : memref<2048x128xf32, #tpu.memory_space<vmem_shared>>) target(%arg6 : memref<128x128xf32, #tpu.memory_space<vmem>>) offsets(%dma_start3A_5 : memref<128xi32, #tpu.memory_space<vmem>>) semaphore(%arg9 : memref<!tpu.dma_semaphore, #tpu.memory_space<semaphore_mem>>)
    %dma_start3A_9 = arith.constant 128 : i32
    %dma_start3A_10 = tpu.memref_slice %arg5[%dma_start3A_9] : memref<256xi32, #tpu.memory_space<vmem>> -> memref<128xi32, #tpu.memory_space<vmem>>
    %dma_start3A_11 = arith.constant 0 : i32
    %dma_start3A_12 = arith.constant 0 : i32
    %dma_start3A_13 = tpu.memref_slice %arg8[%dma_start3A_11, %dma_start3A_12] : memref<2048x128xf32, #tpu.memory_space<vmem_shared>> -> memref<2048x128xf32, #tpu.memory_space<vmem_shared>>
    tpu.enqueue_indirect_dma source(%dma_start3A_13 : memref<2048x128xf32, #tpu.memory_space<vmem_shared>>) target(%arg7 : memref<128x128xf32, #tpu.memory_space<vmem>>) offsets(%dma_start3A_10 : memref<128xi32, #tpu.memory_space<vmem>>) semaphore(%arg10 : memref<!tpu.dma_semaphore, #tpu.memory_space<semaphore_mem>>)
    %dma_wait3A = arith.constant 0 : i32
    %dma_wait3A_14 = tpu.memref_slice %arg5[%dma_wait3A] : memref<256xi32, #tpu.memory_space<vmem>> -> memref<128xi32, #tpu.memory_space<vmem>>
    %dma_wait3A_15 = arith.constant 0 : i32
    %dma_wait3A_16 = arith.constant 0 : i32
    %dma_wait3A_17 = tpu.memref_slice %arg8[%dma_wait3A_15, %dma_wait3A_16] : memref<2048x128xf32, #tpu.memory_space<vmem_shared>> -> memref<2048x128xf32, #tpu.memory_space<vmem_shared>>
    tpu.wait_indirect_dma semaphore(%arg9 : memref<!tpu.dma_semaphore, #tpu.memory_space<semaphore_mem>>) src(%dma_wait3A_17 : memref<2048x128xf32, #tpu.memory_space<vmem_shared>>) dst(%arg6 : memref<128x128xf32, #tpu.memory_space<vmem>>)
    %add3A_18 = arith.constant 0 : i32
    %add3A_19 = arith.addi %mul3A_2, %add3A_18 : i32
    "tpu.region"() ({
      %run_scoped3A = tpu.sem_alloc : memref<!tpu.dma_semaphore, #tpu.memory_space<semaphore_mem>>
      %dma_start3A_27 = arith.constant 0 : i32
      %dma_start3A_28 = tpu.memref_slice %arg4[%add3A_19, %dma_start3A_27] : memref<8192x128xf32, #tpu.memory_space<hbm>> -> memref<128x128xf32, #tpu.memory_space<hbm>>
      %dma_start3A_29 = arith.constant 0 : i32
      %dma_start3A_30 = tpu.memref_slice %arg4[%add3A_19, %dma_start3A_29] : memref<8192x128xf32, #tpu.memory_space<hbm>> -> memref<128x128xf32, #tpu.memory_space<hbm>>
      tpu.enqueue_dma source(%arg6 : memref<128x128xf32, #tpu.memory_space<vmem>>) target(%dma_start3A_30 : memref<128x128xf32, #tpu.memory_space<hbm>>) target_semaphore(%run_scoped3A : memref<!tpu.dma_semaphore, #tpu.memory_space<semaphore_mem>>)
      %dma_wait3A_31 = arith.constant 0 : i32
      %dma_wait3A_32 = tpu.memref_slice %arg4[%add3A_19, %dma_wait3A_31] : memref<8192x128xf32, #tpu.memory_space<hbm>> -> memref<128x128xf32, #tpu.memory_space<hbm>>
      %dma_wait3A_33 = arith.constant 0 : i32
      %dma_wait3A_34 = tpu.memref_slice %arg4[%add3A_19, %dma_wait3A_33] : memref<8192x128xf32, #tpu.memory_space<hbm>> -> memref<128x128xf32, #tpu.memory_space<hbm>>
      tpu.wait_dma2 semaphore(%run_scoped3A : memref<!tpu.dma_semaphore, #tpu.memory_space<semaphore_mem>>) src(%arg6 : memref<128x128xf32, #tpu.memory_space<vmem>>) dst(%dma_wait3A_34 : memref<128x128xf32, #tpu.memory_space<hbm>>)
      tpu.yield
    }) : () -> ()
    %dma_wait3A_20 = arith.constant 128 : i32
    %dma_wait3A_21 = tpu.memref_slice %arg5[%dma_wait3A_20] : memref<256xi32, #tpu.memory_space<vmem>> -> memref<128xi32, #tpu.memory_space<vmem>>
    %dma_wait3A_22 = arith.constant 0 : i32
    %dma_wait3A_23 = arith.constant 0 : i32
    %dma_wait3A_24 = tpu.memref_slice %arg8[%dma_wait3A_22, %dma_wait3A_23] : memref<2048x128xf32, #tpu.memory_space<vmem_shared>> -> memref<2048x128xf32, #tpu.memory_space<vmem_shared>>
    tpu.wait_indirect_dma semaphore(%arg10 : memref<!tpu.dma_semaphore, #tpu.memory_space<semaphore_mem>>) src(%dma_wait3A_24 : memref<2048x128xf32, #tpu.memory_space<vmem_shared>>) dst(%arg7 : memref<128x128xf32, #tpu.memory_space<vmem>>)
    %add3A_25 = arith.constant 128 : i32
    %add3A_26 = arith.addi %mul3A_2, %add3A_25 : i32
    "tpu.region"() ({
      %run_scoped3A = tpu.sem_alloc : memref<!tpu.dma_semaphore, #tpu.memory_space<semaphore_mem>>
      %dma_start3A_27 = arith.constant 0 : i32
      %dma_start3A_28 = tpu.memref_slice %arg4[%add3A_26, %dma_start3A_27] : memref<8192x128xf32, #tpu.memory_space<hbm>> -> memref<128x128xf32, #tpu.memory_space<hbm>>
      %dma_start3A_29 = arith.constant 0 : i32
      %dma_start3A_30 = tpu.memref_slice %arg4[%add3A_26, %dma_start3A_29] : memref<8192x128xf32, #tpu.memory_space<hbm>> -> memref<128x128xf32, #tpu.memory_space<hbm>>
      tpu.enqueue_dma source(%arg7 : memref<128x128xf32, #tpu.memory_space<vmem>>) target(%dma_start3A_30 : memref<128x128xf32, #tpu.memory_space<hbm>>) target_semaphore(%run_scoped3A : memref<!tpu.dma_semaphore, #tpu.memory_space<semaphore_mem>>)
      %dma_wait3A_31 = arith.constant 0 : i32
      %dma_wait3A_32 = tpu.memref_slice %arg4[%add3A_26, %dma_wait3A_31] : memref<8192x128xf32, #tpu.memory_space<hbm>> -> memref<128x128xf32, #tpu.memory_space<hbm>>
      %dma_wait3A_33 = arith.constant 0 : i32
      %dma_wait3A_34 = tpu.memref_slice %arg4[%add3A_26, %dma_wait3A_33] : memref<8192x128xf32, #tpu.memory_space<hbm>> -> memref<128x128xf32, #tpu.memory_space<hbm>>
      tpu.wait_dma2 semaphore(%run_scoped3A : memref<!tpu.dma_semaphore, #tpu.memory_space<semaphore_mem>>) src(%arg7 : memref<128x128xf32, #tpu.memory_space<vmem>>) dst(%dma_wait3A_34 : memref<128x128xf32, #tpu.memory_space<hbm>>)
      tpu.yield
    }) : () -> ()
    return
  }
}

#map = affine_map<(d0, d1) -> (0)>
#map1 = affine_map<(d0, d1) -> (0, 0)>
module attributes {stable_mosaic.version = 14 : i64} {
  func.func @gather(%arg0: i32, %arg1: i32, %arg2: memref<8192xi32, #tpu.memory_space<hbm>>, %arg3: memref<2048x128xf32, #tpu.memory_space<hbm>>, %arg4: memref<8192x128xf32, #tpu.memory_space<hbm>>, %arg5: memref<256xi32, #tpu.memory_space<vmem>>, %arg6: memref<128x128xf32, #tpu.memory_space<vmem>>, %arg7: memref<128x128xf32, #tpu.memory_space<vmem>>, %arg8: memref<2048x128xf32, #tpu.memory_space<vmem_shared>>, %arg9: memref<!tpu.dma_semaphore, #tpu.memory_space<semaphore_mem>>, %arg10: memref<!tpu.dma_semaphore, #tpu.memory_space<semaphore_mem>>) attributes {dimension_semantics = [#tpu.dimension_semantics<core_parallel>, #tpu.dimension_semantics<subcore_parallel>], iteration_bounds = array<i64: 2, 16>, scalar_prefetch = 0 : i64, scratch_operands = 6 : i64, tpu.core_type = #tpu.core_type<sc_vector_subcore>, window_params = [{transform_indices = #map}, {transform_indices = #map1}, {transform_indices = #map1}]} {
    %mul3A = arith.constant 2 : i32
    %mul3A_0 = arith.muli %arg1, %mul3A : i32
    %add3A = arith.addi %mul3A_0, %arg0 : i32
    %mul3A_1 = arith.constant 256 : i32
    %mul3A_2 = arith.muli %add3A, %mul3A_1 : i32
    %eq3A = arith.constant 0 : i32
    %eq3A_3 = arith.cmpi eq, %arg1, %eq3A : i32
    %convert_element_type3A = arith.extui %eq3A_3 : i1 to i32
    %cond3A = arith.constant 0 : i32
    %cond3A_4 = arith.cmpi ne, %convert_element_type3A, %cond3A : i32
    scf.if %cond3A_4 {
      "tpu.region"() ({
        %run_scoped3A = tpu.sem_alloc : memref<!tpu.dma_semaphore, #tpu.memory_space<semaphore_mem>>
        tpu.enqueue_dma source(%arg3 : memref<2048x128xf32, #tpu.memory_space<hbm>>) target(%arg8 : memref<2048x128xf32, #tpu.memory_space<vmem_shared>>) target_semaphore(%run_scoped3A : memref<!tpu.dma_semaphore, #tpu.memory_space<semaphore_mem>>)
        tpu.wait_dma2 semaphore(%run_scoped3A : memref<!tpu.dma_semaphore, #tpu.memory_space<semaphore_mem>>) src(%arg3 : memref<2048x128xf32, #tpu.memory_space<hbm>>) dst(%arg8 : memref<2048x128xf32, #tpu.memory_space<vmem_shared>>)
        tpu.yield
      }) : () -> ()
    } else {
    }
    %barrier3A = arith.constant 0 : index
    tpu.barrier barrier_id(%barrier3A)
    "tpu.region"() ({
      %run_scoped3A = tpu.sem_alloc : memref<!tpu.dma_semaphore, #tpu.memory_space<semaphore_mem>>
      %dma_start3A_27 = tpu.memref_slice %arg2[%mul3A_2] : memref<8192xi32, #tpu.memory_space<hbm>> -> memref<256xi32, #tpu.memory_space<hbm>>
      %dma_start3A_28 = tpu.memref_slice %arg2[%mul3A_2] : memref<8192xi32, #tpu.memory_space<hbm>> -> memref<256xi32, #tpu.memory_space<hbm>>
      tpu.enqueue_dma source(%dma_start3A_28 : memref<256xi32, #tpu.memory_space<hbm>>) target(%arg5 : memref<256xi32, #tpu.memory_space<vmem>>) target_semaphore(%run_scoped3A : memref<!tpu.dma_semaphore, #tpu.memory_space<semaphore_mem>>)
      %dma_wait3A_29 = tpu.memref_slice %arg2[%mul3A_2] : memref<8192xi32, #tpu.memory_space<hbm>> -> memref<256xi32, #tpu.memory_space<hbm>>
      %dma_wait3A_30 = tpu.memref_slice %arg2[%mul3A_2] : memref<8192xi32, #tpu.memory_space<hbm>> -> memref<256xi32, #tpu.memory_space<hbm>>
      tpu.wait_dma2 semaphore(%run_scoped3A : memref<!tpu.dma_semaphore, #tpu.memory_space<semaphore_mem>>) src(%dma_wait3A_30 : memref<256xi32, #tpu.memory_space<hbm>>) dst(%arg5 : memref<256xi32, #tpu.memory_space<vmem>>)
      tpu.yield
    }) : () -> ()
    %dma_start3A = arith.constant 0 : i32
    %dma_start3A_5 = tpu.memref_slice %arg5[%dma_start3A] : memref<256xi32, #tpu.memory_space<vmem>> -> memref<128xi32, #tpu.memory_space<vmem>>
    %dma_start3A_6 = arith.constant 0 : i32
    %dma_start3A_7 = arith.constant 0 : i32
    %dma_start3A_8 = tpu.memref_slice %arg8[%dma_start3A_6, %dma_start3A_7] : memref<2048x128xf32, #tpu.memory_space<vmem_shared>> -> memref<2048x128xf32, #tpu.memory_space<vmem_shared>>
    tpu.enqueue_indirect_dma source(%dma_start3A_8 : memref<2048x128xf32, #tpu.memory_space<vmem_shared>>) target(%arg6 : memref<128x128xf32, #tpu.memory_space<vmem>>) offsets(%dma_start3A_5 : memref<128xi32, #tpu.memory_space<vmem>>) semaphore(%arg9 : memref<!tpu.dma_semaphore, #tpu.memory_space<semaphore_mem>>)
    %dma_start3A_9 = arith.constant 128 : i32
    %dma_start3A_10 = tpu.memref_slice %arg5[%dma_start3A_9] : memref<256xi32, #tpu.memory_space<vmem>> -> memref<128xi32, #tpu.memory_space<vmem>>
    %dma_start3A_11 = arith.constant 0 : i32
    %dma_start3A_12 = arith.constant 0 : i32
    %dma_start3A_13 = tpu.memref_slice %arg8[%dma_start3A_11, %dma_start3A_12] : memref<2048x128xf32, #tpu.memory_space<vmem_shared>> -> memref<2048x128xf32, #tpu.memory_space<vmem_shared>>
    tpu.enqueue_indirect_dma source(%dma_start3A_13 : memref<2048x128xf32, #tpu.memory_space<vmem_shared>>) target(%arg7 : memref<128x128xf32, #tpu.memory_space<vmem>>) offsets(%dma_start3A_10 : memref<128xi32, #tpu.memory_space<vmem>>) semaphore(%arg10 : memref<!tpu.dma_semaphore, #tpu.memory_space<semaphore_mem>>)
    %dma_wait3A = arith.constant 0 : i32
    %dma_wait3A_14 = tpu.memref_slice %arg5[%dma_wait3A] : memref<256xi32, #tpu.memory_space<vmem>> -> memref<128xi32, #tpu.memory_space<vmem>>
    %dma_wait3A_15 = arith.constant 0 : i32
    %dma_wait3A_16 = arith.constant 0 : i32
    %dma_wait3A_17 = tpu.memref_slice %arg8[%dma_wait3A_15, %dma_wait3A_16] : memref<2048x128xf32, #tpu.memory_space<vmem_shared>> -> memref<2048x128xf32, #tpu.memory_space<vmem_shared>>
    tpu.wait_indirect_dma semaphore(%arg9 : memref<!tpu.dma_semaphore, #tpu.memory_space<semaphore_mem>>) src(%dma_wait3A_17 : memref<2048x128xf32, #tpu.memory_space<vmem_shared>>) dst(%arg6 : memref<128x128xf32, #tpu.memory_space<vmem>>)
    %add3A_18 = arith.constant 0 : i32
    %add3A_19 = arith.addi %mul3A_2, %add3A_18 : i32
    "tpu.region"() ({
      %run_scoped3A = tpu.sem_alloc : memref<!tpu.dma_semaphore, #tpu.memory_space<semaphore_mem>>
      %dma_start3A_27 = arith.constant 0 : i32
      %dma_start3A_28 = tpu.memref_slice %arg4[%add3A_19, %dma_start3A_27] : memref<8192x128xf32, #tpu.memory_space<hbm>> -> memref<128x128xf32, #tpu.memory_space<hbm>>
      %dma_start3A_29 = arith.constant 0 : i32
      %dma_start3A_30 = tpu.memref_slice %arg4[%add3A_19, %dma_start3A_29] : memref<8192x128xf32, #tpu.memory_space<hbm>> -> memref<128x128xf32, #tpu.memory_space<hbm>>
      tpu.enqueue_dma source(%arg6 : memref<128x128xf32, #tpu.memory_space<vmem>>) target(%dma_start3A_30 : memref<128x128xf32, #tpu.memory_space<hbm>>) target_semaphore(%run_scoped3A : memref<!tpu.dma_semaphore, #tpu.memory_space<semaphore_mem>>)
      %dma_wait3A_31 = arith.constant 0 : i32
      %dma_wait3A_32 = tpu.memref_slice %arg4[%add3A_19, %dma_wait3A_31] : memref<8192x128xf32, #tpu.memory_space<hbm>> -> memref<128x128xf32, #tpu.memory_space<hbm>>
      %dma_wait3A_33 = arith.constant 0 : i32
      %dma_wait3A_34 = tpu.memref_slice %arg4[%add3A_19, %dma_wait3A_33] : memref<8192x128xf32, #tpu.memory_space<hbm>> -> memref<128x128xf32, #tpu.memory_space<hbm>>
      tpu.wait_dma2 semaphore(%run_scoped3A : memref<!tpu.dma_semaphore, #tpu.memory_space<semaphore_mem>>) src(%arg6 : memref<128x128xf32, #tpu.memory_space<vmem>>) dst(%dma_wait3A_34 : memref<128x128xf32, #tpu.memory_space<hbm>>)
      tpu.yield
    }) : () -> ()
    %dma_wait3A_20 = arith.constant 128 : i32
    %dma_wait3A_21 = tpu.memref_slice %arg5[%dma_wait3A_20] : memref<256xi32, #tpu.memory_space<vmem>> -> memref<128xi32, #tpu.memory_space<vmem>>
    %dma_wait3A_22 = arith.constant 0 : i32
    %dma_wait3A_23 = arith.constant 0 : i32
    %dma_wait3A_24 = tpu.memref_slice %arg8[%dma_wait3A_22, %dma_wait3A_23] : memref<2048x128xf32, #tpu.memory_space<vmem_shared>> -> memref<2048x128xf32, #tpu.memory_space<vmem_shared>>
    tpu.wait_indirect_dma semaphore(%arg10 : memref<!tpu.dma_semaphore, #tpu.memory_space<semaphore_mem>>) src(%dma_wait3A_24 : memref<2048x128xf32, #tpu.memory_space<vmem_shared>>) dst(%arg7 : memref<128x128xf32, #tpu.memory_space<vmem>>)
    %add3A_25 = arith.constant 128 : i32
    %add3A_26 = arith.addi %mul3A_2, %add3A_25 : i32
    "tpu.region"() ({
      %run_scoped3A = tpu.sem_alloc : memref<!tpu.dma_semaphore, #tpu.memory_space<semaphore_mem>>
      %dma_start3A_27 = arith.constant 0 : i32
      %dma_start3A_28 = tpu.memref_slice %arg4[%add3A_26, %dma_start3A_27] : memref<8192x128xf32, #tpu.memory_space<hbm>> -> memref<128x128xf32, #tpu.memory_space<hbm>>
      %dma_start3A_29 = arith.constant 0 : i32
      %dma_start3A_30 = tpu.memref_slice %arg4[%add3A_26, %dma_start3A_29] : memref<8192x128xf32, #tpu.memory_space<hbm>> -> memref<128x128xf32, #tpu.memory_space<hbm>>
      tpu.enqueue_dma source(%arg7 : memref<128x128xf32, #tpu.memory_space<vmem>>) target(%dma_start3A_30 : memref<128x128xf32, #tpu.memory_space<hbm>>) target_semaphore(%run_scoped3A : memref<!tpu.dma_semaphore, #tpu.memory_space<semaphore_mem>>)
      %dma_wait3A_31 = arith.constant 0 : i32
      %dma_wait3A_32 = tpu.memref_slice %arg4[%add3A_26, %dma_wait3A_31] : memref<8192x128xf32, #tpu.memory_space<hbm>> -> memref<128x128xf32, #tpu.memory_space<hbm>>
      %dma_wait3A_33 = arith.constant 0 : i32
      %dma_wait3A_34 = tpu.memref_slice %arg4[%add3A_26, %dma_wait3A_33] : memref<8192x128xf32, #tpu.memory_space<hbm>> -> memref<128x128xf32, #tpu.memory_space<hbm>>
      tpu.wait_dma2 semaphore(%run_scoped3A : memref<!tpu.dma_semaphore, #tpu.memory_space<semaphore_mem>>) src(%arg7 : memref<128x128xf32, #tpu.memory_space<vmem>>) dst(%dma_wait3A_34 : memref<128x128xf32, #tpu.memory_space<hbm>>)
      tpu.yield
    }) : () -> ()
    return
  }
}

module attributes {stable_mosaic.version = 14 : i64} {
  func.func @_tok_block_kernel(%arg0: i32, %arg1: i32, %arg2: memref<1x64x2048xf32, #tpu.memory_space<vmem>>, %arg3: memref<2048x64xf32, #tpu.memory_space<vmem>>, %arg4: memref<1x1x2048xi32, #tpu.memory_space<vmem>>, %arg5: memref<2048x1xf32, #tpu.memory_space<vmem>>) attributes {dimension_semantics = [#tpu.dimension_semantics<arbitrary>, #tpu.dimension_semantics<arbitrary>], iteration_bounds = array<i64: 4, 1>, scalar_prefetch = 0 : i64, scratch_operands = 1 : i64, tpu.core_type = #tpu.core_type<tc>, window_params = [{transform_indices = @transform_0, window_bounds = array<i64: 1, 64, 2048>}, {pipeline_mode = #tpu.pipeline_mode<synchronous>, transform_indices = @transform_1, window_bounds = array<i64: 2048, 64>}, {transform_indices = @transform_2, window_bounds = array<i64: 1, 1, 2048>}]} {
    %eq3A = arith.constant 0 : i32
    %eq3A_0 = arith.cmpi eq, %arg0, %eq3A : i32
    %eq3A_1 = arith.constant 0 : i32
    %eq3A_2 = arith.cmpi eq, %arg1, %eq3A_1 : i32
    %and3A = arith.andi %eq3A_0, %eq3A_2 : i1
    %convert_element_type3A = arith.extui %and3A : i1 to i32
    %cond3A = arith.constant 0 : i32
    %cond3A_3 = arith.cmpi ne, %convert_element_type3A, %cond3A : i32
    scf.if %cond3A_3 {
      %get3A_51 = arith.constant 0 : index
      %get3A_52 = arith.constant 0 : index
      %get3A_53 = vector.load %arg3[%get3A_51, %get3A_52] : memref<2048x64xf32, #tpu.memory_space<vmem>>, vector<2048x64xf32>
      %mul3A_54 = arith.mulf %get3A_53, %get3A_53 : vector<2048x64xf32>
      %reduce_sum3A = arith.constant dense<0.000000e+00> : vector<2048xf32>
      %reduce_sum3A_55 = vector.multi_reduction <add>, %mul3A_54, %reduce_sum3A [1] : vector<2048x64xf32> to vector<2048xf32>
      %broadcast_in_dim3A_56 = vector.shape_cast %reduce_sum3A_55 : vector<2048xf32> to vector<2048x1xf32>
      %swap3A_57 = arith.constant 0 : index
      %swap3A_58 = arith.constant 0 : index
      %swap3A_59 = vector.load %arg5[%swap3A_57, %swap3A_58] : memref<2048x1xf32, #tpu.memory_space<vmem>>, vector<2048x1xf32>
      tpu.vector_store %arg5[%swap3A_57, %swap3A_58], %broadcast_in_dim3A_56 {strides = array<i32>} : memref<2048x1xf32, #tpu.memory_space<vmem>>, vector<2048x1xf32>,
    } else {
    }
    %get3A = arith.constant 0 : index
    %get3A_4 = arith.constant 0 : index
    %get3A_5 = arith.constant 0 : index
    %get3A_6 = vector.load %arg2[%get3A, %get3A_4, %get3A_5] : memref<1x64x2048xf32, #tpu.memory_space<vmem>>, vector<1x64x2048xf32>
    %get3A_7 = vector.shape_cast %get3A_6 : vector<1x64x2048xf32> to vector<64x2048xf32>
    %get3A_8 = arith.constant 0 : index
    %get3A_9 = arith.constant 0 : index
    %get3A_10 = vector.load %arg3[%get3A_8, %get3A_9] : memref<2048x64xf32, #tpu.memory_space<vmem>>, vector<2048x64xf32>
    %dot_general3A = arith.constant dense<0.000000e+00> : vector<2048x2048xf32>
    %dot_general3A_11 = tpu.matmul %get3A_10, %get3A_7, %dot_general3A {dimension_numbers = #tpu.dot_dimension_numbers<[1], [0], [0], [1], [0, 0, 1, 1], [], []>, transpose_lhs_hint = false} : vector<2048x64xf32>, vector<64x2048xf32>, vector<2048x2048xf32> -> vector<2048x2048xf32>
    %mul3A = arith.mulf %get3A_7, %get3A_7 : vector<64x2048xf32>
    %slice3A = vector.extract_strided_slice %mul3A {offsets = [0, 0], sizes = [32, 2048], strides = [1, 1]} : vector<64x2048xf32> to vector<32x2048xf32>
    %slice3A_12 = vector.extract_strided_slice %mul3A {offsets = [32, 0], sizes = [32, 2048], strides = [1, 1]} : vector<64x2048xf32> to vector<32x2048xf32>
    %add3A = arith.addf %slice3A, %slice3A_12 : vector<32x2048xf32>
    %slice3A_13 = vector.extract_strided_slice %add3A {offsets = [0, 0], sizes = [16, 2048], strides = [1, 1]} : vector<32x2048xf32> to vector<16x2048xf32>
    %slice3A_14 = vector.extract_strided_slice %add3A {offsets = [16, 0], sizes = [16, 2048], strides = [1, 1]} : vector<32x2048xf32> to vector<16x2048xf32>
    %add3A_15 = arith.addf %slice3A_13, %slice3A_14 : vector<16x2048xf32>
    %slice3A_16 = vector.extract_strided_slice %add3A_15 {offsets = [0, 0], sizes = [8, 2048], strides = [1, 1]} : vector<16x2048xf32> to vector<8x2048xf32>
    %slice3A_17 = vector.extract_strided_slice %add3A_15 {offsets = [8, 0], sizes = [8, 2048], strides = [1, 1]} : vector<16x2048xf32> to vector<8x2048xf32>
    %add3A_18 = arith.addf %slice3A_16, %slice3A_17 : vector<8x2048xf32>
    %slice3A_19 = vector.extract_strided_slice %add3A_18 {offsets = [0, 0], sizes = [4, 2048], strides = [1, 1]} : vector<8x2048xf32> to vector<4x2048xf32>
    %slice3A_20 = vector.extract_strided_slice %add3A_18 {offsets = [4, 0], sizes = [4, 2048], strides = [1, 1]} : vector<8x2048xf32> to vector<4x2048xf32>
    %add3A_21 = arith.addf %slice3A_19, %slice3A_20 : vector<4x2048xf32>
    %slice3A_22 = vector.extract_strided_slice %add3A_21 {offsets = [0, 0], sizes = [2, 2048], strides = [1, 1]} : vector<4x2048xf32> to vector<2x2048xf32>
    %slice3A_23 = vector.extract_strided_slice %add3A_21 {offsets = [2, 0], sizes = [2, 2048], strides = [1, 1]} : vector<4x2048xf32> to vector<2x2048xf32>
    %add3A_24 = arith.addf %slice3A_22, %slice3A_23 : vector<2x2048xf32>
    %slice3A_25 = vector.extract_strided_slice %add3A_24 {offsets = [0, 0], sizes = [1, 2048], strides = [1, 1]} : vector<2x2048xf32> to vector<1x2048xf32>
    %slice3A_26 = vector.extract_strided_slice %add3A_24 {offsets = [1, 0], sizes = [1, 2048], strides = [1, 1]} : vector<2x2048xf32> to vector<1x2048xf32>
    %add3A_27 = arith.addf %slice3A_25, %slice3A_26 : vector<1x2048xf32>
    %mul3A_28 = arith.constant 2.000000e+00 : f32
    %mul3A_29 = vector.broadcast %mul3A_28 : f32 to vector<2048x2048xf32>
    %mul3A_30 = arith.mulf %mul3A_29, %dot_general3A_11 : vector<2048x2048xf32>
    %sub3A = vector.broadcast %add3A_27 : vector<1x2048xf32> to vector<2048x2048xf32>
    %sub3A_31 = arith.subf %sub3A, %mul3A_30 : vector<2048x2048xf32>
    %get3A_32 = arith.constant 0 : index
    %get3A_33 = arith.constant 0 : index
    %get3A_34 = vector.load %arg5[%get3A_32, %get3A_33] : memref<2048x1xf32, #tpu.memory_space<vmem>>, vector<2048x1xf32>
    %add3A_35 = vector.broadcast %get3A_34 : vector<2048x1xf32> to vector<2048x2048xf32>
    %add3A_36 = arith.addf %sub3A_31, %add3A_35 : vector<2048x2048xf32>
    %reduce_min3A = arith.constant dense<0x7F800000> : vector<2048xf32>
    %reduce_min3A_37 = vector.multi_reduction <minimumf>, %add3A_36, %reduce_min3A [0] : vector<2048x2048xf32> to vector<2048xf32>
    %broadcast_in_dim3A = vector.shape_cast %reduce_min3A_37 : vector<2048xf32> to vector<1x2048xf32>
    %iota3A = tpu.iota {dimensions = array<i32: 0>} : vector<2048x2048xi32>
    %convert_element_type3A_38 = arith.sitofp %iota3A : vector<2048x2048xi32> to vector<2048x2048xf32>
    %eq3A_39 = vector.broadcast %broadcast_in_dim3A : vector<1x2048xf32> to vector<2048x2048xf32>
    %eq3A_40 = arith.cmpf oeq, %add3A_36, %eq3A_39 : vector<2048x2048xf32>
    %jit3A = arith.constant 2.048000e+03 : f32
    %broadcast_in_dim3A_41 = vector.broadcast %jit3A : f32 to vector<2048x2048xf32>
    %select_n3A = arith.select %eq3A_40, %convert_element_type3A_38, %broadcast_in_dim3A_41 : vector<2048x2048xi1>, vector<2048x2048xf32>
    %reduce_min3A_42 = arith.constant dense<0x7F800000> : vector<2048xf32>
    %reduce_min3A_43 = vector.multi_reduction <minimumf>, %select_n3A, %reduce_min3A_42 [0] : vector<2048x2048xf32> to vector<2048xf32>
    %broadcast_in_dim3A_44 = vector.shape_cast %reduce_min3A_43 : vector<2048xf32> to vector<1x2048xf32>
    %convert_element_type3A_45 = arith.fptosi %broadcast_in_dim3A_44 : vector<1x2048xf32> to vector<1x2048xi32>
    %swap3A = arith.constant 0 : index
    %swap3A_46 = arith.constant 0 : index
    %swap3A_47 = arith.constant 0 : index
    %swap3A_48 = vector.load %arg4[%swap3A, %swap3A_46, %swap3A_47] : memref<1x1x2048xi32, #tpu.memory_space<vmem>>, vector<1x1x2048xi32>
    %swap3A_49 = vector.shape_cast %swap3A_48 : vector<1x1x2048xi32> to vector<1x2048xi32>
    %swap3A_50 = vector.shape_cast %convert_element_type3A_45 : vector<1x2048xi32> to vector<1x1x2048xi32>
    tpu.vector_store %arg4[%swap3A, %swap3A_46, %swap3A_47], %swap3A_50 {strides = array<i32>} : memref<1x1x2048xi32, #tpu.memory_space<vmem>>, vector<1x1x2048xi32>,
    return
  }
  func.func @transform_0(%arg0: i32, %arg1: i32) -> (i32, i32, i32) {
    %add3A = arith.constant 3 : i32
    %add3A_0 = arith.addi %arg1, %add3A : i32
    %c0_i32 = arith.constant 0 : i32
    %c0_i32_1 = arith.constant 0 : i32
    return %arg0, %c0_i32, %add3A_0 : i32, i32, i32
  }
  func.func @transform_1(%arg0: i32, %arg1: i32) -> (i32, i32) {
    %c0_i32 = arith.constant 0 : i32
    %c0_i32_0 = arith.constant 0 : i32
    %c0_i32_1 = arith.constant 0 : i32
    return %c0_i32, %c0_i32_0 : i32, i32
  }
  func.func @transform_2(%arg0: i32, %arg1: i32) -> (i32, i32, i32) {
    %mul3A = arith.constant 1 : i32
    %mul3A_0 = arith.muli %arg0, %mul3A : i32
    %add3A = arith.addi %mul3A_0, %arg1 : i32
    %c0_i32 = arith.constant 0 : i32
    %c0_i32_1 = arith.constant 0 : i32
    %c0_i32_2 = arith.constant 0 : i32
    return %add3A, %c0_i32, %c0_i32_1 : i32, i32, i32
  }
}

module attributes {stable_mosaic.version = 14 : i64} {
  func.func @_tok_block_kernel(%arg0: i32, %arg1: i32, %arg2: memref<1x64x2048xf32, #tpu.memory_space<vmem>>, %arg3: memref<2048x64xf32, #tpu.memory_space<vmem>>, %arg4: memref<1x1x2048xi32, #tpu.memory_space<vmem>>, %arg5: memref<2048x1xf32, #tpu.memory_space<vmem>>) attributes {dimension_semantics = [#tpu.dimension_semantics<arbitrary>, #tpu.dimension_semantics<arbitrary>], iteration_bounds = array<i64: 4, 1>, scalar_prefetch = 0 : i64, scratch_operands = 1 : i64, tpu.core_type = #tpu.core_type<tc>, window_params = [{transform_indices = @transform_0, window_bounds = array<i64: 1, 64, 2048>}, {pipeline_mode = #tpu.pipeline_mode<synchronous>, transform_indices = @transform_1, window_bounds = array<i64: 2048, 64>}, {transform_indices = @transform_2, window_bounds = array<i64: 1, 1, 2048>}]} {
    %eq3A = arith.constant 0 : i32
    %eq3A_0 = arith.cmpi eq, %arg0, %eq3A : i32
    %eq3A_1 = arith.constant 0 : i32
    %eq3A_2 = arith.cmpi eq, %arg1, %eq3A_1 : i32
    %and3A = arith.andi %eq3A_0, %eq3A_2 : i1
    %convert_element_type3A = arith.extui %and3A : i1 to i32
    %cond3A = arith.constant 0 : i32
    %cond3A_3 = arith.cmpi ne, %convert_element_type3A, %cond3A : i32
    scf.if %cond3A_3 {
      %get3A_51 = arith.constant 0 : index
      %get3A_52 = arith.constant 0 : index
      %get3A_53 = vector.load %arg3[%get3A_51, %get3A_52] : memref<2048x64xf32, #tpu.memory_space<vmem>>, vector<2048x64xf32>
      %mul3A_54 = arith.mulf %get3A_53, %get3A_53 : vector<2048x64xf32>
      %reduce_sum3A = arith.constant dense<0.000000e+00> : vector<2048xf32>
      %reduce_sum3A_55 = vector.multi_reduction <add>, %mul3A_54, %reduce_sum3A [1] : vector<2048x64xf32> to vector<2048xf32>
      %broadcast_in_dim3A_56 = vector.shape_cast %reduce_sum3A_55 : vector<2048xf32> to vector<2048x1xf32>
      %swap3A_57 = arith.constant 0 : index
      %swap3A_58 = arith.constant 0 : index
      %swap3A_59 = vector.load %arg5[%swap3A_57, %swap3A_58] : memref<2048x1xf32, #tpu.memory_space<vmem>>, vector<2048x1xf32>
      tpu.vector_store %arg5[%swap3A_57, %swap3A_58], %broadcast_in_dim3A_56 {strides = array<i32>} : memref<2048x1xf32, #tpu.memory_space<vmem>>, vector<2048x1xf32>,
    } else {
    }
    %get3A = arith.constant 0 : index
    %get3A_4 = arith.constant 0 : index
    %get3A_5 = arith.constant 0 : index
    %get3A_6 = vector.load %arg2[%get3A, %get3A_4, %get3A_5] : memref<1x64x2048xf32, #tpu.memory_space<vmem>>, vector<1x64x2048xf32>
    %get3A_7 = vector.shape_cast %get3A_6 : vector<1x64x2048xf32> to vector<64x2048xf32>
    %get3A_8 = arith.constant 0 : index
    %get3A_9 = arith.constant 0 : index
    %get3A_10 = vector.load %arg3[%get3A_8, %get3A_9] : memref<2048x64xf32, #tpu.memory_space<vmem>>, vector<2048x64xf32>
    %dot_general3A = arith.constant dense<0.000000e+00> : vector<2048x2048xf32>
    %dot_general3A_11 = tpu.matmul %get3A_10, %get3A_7, %dot_general3A {dimension_numbers = #tpu.dot_dimension_numbers<[1], [0], [0], [1], [0, 0, 1, 1], [], []>, transpose_lhs_hint = false} : vector<2048x64xf32>, vector<64x2048xf32>, vector<2048x2048xf32> -> vector<2048x2048xf32>
    %mul3A = arith.mulf %get3A_7, %get3A_7 : vector<64x2048xf32>
    %slice3A = vector.extract_strided_slice %mul3A {offsets = [0, 0], sizes = [32, 2048], strides = [1, 1]} : vector<64x2048xf32> to vector<32x2048xf32>
    %slice3A_12 = vector.extract_strided_slice %mul3A {offsets = [32, 0], sizes = [32, 2048], strides = [1, 1]} : vector<64x2048xf32> to vector<32x2048xf32>
    %add3A = arith.addf %slice3A, %slice3A_12 : vector<32x2048xf32>
    %slice3A_13 = vector.extract_strided_slice %add3A {offsets = [0, 0], sizes = [16, 2048], strides = [1, 1]} : vector<32x2048xf32> to vector<16x2048xf32>
    %slice3A_14 = vector.extract_strided_slice %add3A {offsets = [16, 0], sizes = [16, 2048], strides = [1, 1]} : vector<32x2048xf32> to vector<16x2048xf32>
    %add3A_15 = arith.addf %slice3A_13, %slice3A_14 : vector<16x2048xf32>
    %slice3A_16 = vector.extract_strided_slice %add3A_15 {offsets = [0, 0], sizes = [8, 2048], strides = [1, 1]} : vector<16x2048xf32> to vector<8x2048xf32>
    %slice3A_17 = vector.extract_strided_slice %add3A_15 {offsets = [8, 0], sizes = [8, 2048], strides = [1, 1]} : vector<16x2048xf32> to vector<8x2048xf32>
    %add3A_18 = arith.addf %slice3A_16, %slice3A_17 : vector<8x2048xf32>
    %slice3A_19 = vector.extract_strided_slice %add3A_18 {offsets = [0, 0], sizes = [4, 2048], strides = [1, 1]} : vector<8x2048xf32> to vector<4x2048xf32>
    %slice3A_20 = vector.extract_strided_slice %add3A_18 {offsets = [4, 0], sizes = [4, 2048], strides = [1, 1]} : vector<8x2048xf32> to vector<4x2048xf32>
    %add3A_21 = arith.addf %slice3A_19, %slice3A_20 : vector<4x2048xf32>
    %slice3A_22 = vector.extract_strided_slice %add3A_21 {offsets = [0, 0], sizes = [2, 2048], strides = [1, 1]} : vector<4x2048xf32> to vector<2x2048xf32>
    %slice3A_23 = vector.extract_strided_slice %add3A_21 {offsets = [2, 0], sizes = [2, 2048], strides = [1, 1]} : vector<4x2048xf32> to vector<2x2048xf32>
    %add3A_24 = arith.addf %slice3A_22, %slice3A_23 : vector<2x2048xf32>
    %slice3A_25 = vector.extract_strided_slice %add3A_24 {offsets = [0, 0], sizes = [1, 2048], strides = [1, 1]} : vector<2x2048xf32> to vector<1x2048xf32>
    %slice3A_26 = vector.extract_strided_slice %add3A_24 {offsets = [1, 0], sizes = [1, 2048], strides = [1, 1]} : vector<2x2048xf32> to vector<1x2048xf32>
    %add3A_27 = arith.addf %slice3A_25, %slice3A_26 : vector<1x2048xf32>
    %mul3A_28 = arith.constant 2.000000e+00 : f32
    %mul3A_29 = vector.broadcast %mul3A_28 : f32 to vector<2048x2048xf32>
    %mul3A_30 = arith.mulf %mul3A_29, %dot_general3A_11 : vector<2048x2048xf32>
    %sub3A = vector.broadcast %add3A_27 : vector<1x2048xf32> to vector<2048x2048xf32>
    %sub3A_31 = arith.subf %sub3A, %mul3A_30 : vector<2048x2048xf32>
    %get3A_32 = arith.constant 0 : index
    %get3A_33 = arith.constant 0 : index
    %get3A_34 = vector.load %arg5[%get3A_32, %get3A_33] : memref<2048x1xf32, #tpu.memory_space<vmem>>, vector<2048x1xf32>
    %add3A_35 = vector.broadcast %get3A_34 : vector<2048x1xf32> to vector<2048x2048xf32>
    %add3A_36 = arith.addf %sub3A_31, %add3A_35 : vector<2048x2048xf32>
    %reduce_min3A = arith.constant dense<0x7F800000> : vector<2048xf32>
    %reduce_min3A_37 = vector.multi_reduction <minimumf>, %add3A_36, %reduce_min3A [0] : vector<2048x2048xf32> to vector<2048xf32>
    %broadcast_in_dim3A = vector.shape_cast %reduce_min3A_37 : vector<2048xf32> to vector<1x2048xf32>
    %iota3A = tpu.iota {dimensions = array<i32: 0>} : vector<2048x2048xi32>
    %convert_element_type3A_38 = arith.sitofp %iota3A : vector<2048x2048xi32> to vector<2048x2048xf32>
    %eq3A_39 = vector.broadcast %broadcast_in_dim3A : vector<1x2048xf32> to vector<2048x2048xf32>
    %eq3A_40 = arith.cmpf oeq, %add3A_36, %eq3A_39 : vector<2048x2048xf32>
    %jit3A = arith.constant 2.048000e+03 : f32
    %broadcast_in_dim3A_41 = vector.broadcast %jit3A : f32 to vector<2048x2048xf32>
    %select_n3A = arith.select %eq3A_40, %convert_element_type3A_38, %broadcast_in_dim3A_41 : vector<2048x2048xi1>, vector<2048x2048xf32>
    %reduce_min3A_42 = arith.constant dense<0x7F800000> : vector<2048xf32>
    %reduce_min3A_43 = vector.multi_reduction <minimumf>, %select_n3A, %reduce_min3A_42 [0] : vector<2048x2048xf32> to vector<2048xf32>
    %broadcast_in_dim3A_44 = vector.shape_cast %reduce_min3A_43 : vector<2048xf32> to vector<1x2048xf32>
    %convert_element_type3A_45 = arith.fptosi %broadcast_in_dim3A_44 : vector<1x2048xf32> to vector<1x2048xi32>
    %swap3A = arith.constant 0 : index
    %swap3A_46 = arith.constant 0 : index
    %swap3A_47 = arith.constant 0 : index
    %swap3A_48 = vector.load %arg4[%swap3A, %swap3A_46, %swap3A_47] : memref<1x1x2048xi32, #tpu.memory_space<vmem>>, vector<1x1x2048xi32>
    %swap3A_49 = vector.shape_cast %swap3A_48 : vector<1x1x2048xi32> to vector<1x2048xi32>
    %swap3A_50 = vector.shape_cast %convert_element_type3A_45 : vector<1x2048xi32> to vector<1x1x2048xi32>
    tpu.vector_store %arg4[%swap3A, %swap3A_46, %swap3A_47], %swap3A_50 {strides = array<i32>} : memref<1x1x2048xi32, #tpu.memory_space<vmem>>, vector<1x1x2048xi32>,
    return
  }
  func.func @transform_0(%arg0: i32, %arg1: i32) -> (i32, i32, i32) {
    %add3A = arith.constant 0 : i32
    %add3A_0 = arith.addi %arg1, %add3A : i32
    %c0_i32 = arith.constant 0 : i32
    %c0_i32_1 = arith.constant 0 : i32
    return %arg0, %c0_i32, %add3A_0 : i32, i32, i32
  }
  func.func @transform_1(%arg0: i32, %arg1: i32) -> (i32, i32) {
    %c0_i32 = arith.constant 0 : i32
    %c0_i32_0 = arith.constant 0 : i32
    %c0_i32_1 = arith.constant 0 : i32
    return %c0_i32, %c0_i32_0 : i32, i32
  }
  func.func @transform_2(%arg0: i32, %arg1: i32) -> (i32, i32, i32) {
    %mul3A = arith.constant 1 : i32
    %mul3A_0 = arith.muli %arg0, %mul3A : i32
    %add3A = arith.addi %mul3A_0, %arg1 : i32
    %c0_i32 = arith.constant 0 : i32
    %c0_i32_1 = arith.constant 0 : i32
    %c0_i32_2 = arith.constant 0 : i32
    return %add3A, %c0_i32, %c0_i32_1 : i32, i32, i32
  }
}

module attributes {stable_mosaic.version = 14 : i64} {
  func.func @_tok_block_kernel(%arg0: i32, %arg1: i32, %arg2: memref<1x64x2048xf32, #tpu.memory_space<vmem>>, %arg3: memref<2048x64xf32, #tpu.memory_space<vmem>>, %arg4: memref<1x1x2048xi32, #tpu.memory_space<vmem>>, %arg5: memref<2048x1xf32, #tpu.memory_space<vmem>>) attributes {dimension_semantics = [#tpu.dimension_semantics<arbitrary>, #tpu.dimension_semantics<arbitrary>], iteration_bounds = array<i64: 4, 1>, scalar_prefetch = 0 : i64, scratch_operands = 1 : i64, tpu.core_type = #tpu.core_type<tc>, window_params = [{transform_indices = @transform_0, window_bounds = array<i64: 1, 64, 2048>}, {pipeline_mode = #tpu.pipeline_mode<synchronous>, transform_indices = @transform_1, window_bounds = array<i64: 2048, 64>}, {transform_indices = @transform_2, window_bounds = array<i64: 1, 1, 2048>}]} {
    %eq3A = arith.constant 0 : i32
    %eq3A_0 = arith.cmpi eq, %arg0, %eq3A : i32
    %eq3A_1 = arith.constant 0 : i32
    %eq3A_2 = arith.cmpi eq, %arg1, %eq3A_1 : i32
    %and3A = arith.andi %eq3A_0, %eq3A_2 : i1
    %convert_element_type3A = arith.extui %and3A : i1 to i32
    %cond3A = arith.constant 0 : i32
    %cond3A_3 = arith.cmpi ne, %convert_element_type3A, %cond3A : i32
    scf.if %cond3A_3 {
      %get3A_51 = arith.constant 0 : index
      %get3A_52 = arith.constant 0 : index
      %get3A_53 = vector.load %arg3[%get3A_51, %get3A_52] : memref<2048x64xf32, #tpu.memory_space<vmem>>, vector<2048x64xf32>
      %mul3A_54 = arith.mulf %get3A_53, %get3A_53 : vector<2048x64xf32>
      %reduce_sum3A = arith.constant dense<0.000000e+00> : vector<2048xf32>
      %reduce_sum3A_55 = vector.multi_reduction <add>, %mul3A_54, %reduce_sum3A [1] : vector<2048x64xf32> to vector<2048xf32>
      %broadcast_in_dim3A_56 = vector.shape_cast %reduce_sum3A_55 : vector<2048xf32> to vector<2048x1xf32>
      %swap3A_57 = arith.constant 0 : index
      %swap3A_58 = arith.constant 0 : index
      %swap3A_59 = vector.load %arg5[%swap3A_57, %swap3A_58] : memref<2048x1xf32, #tpu.memory_space<vmem>>, vector<2048x1xf32>
      tpu.vector_store %arg5[%swap3A_57, %swap3A_58], %broadcast_in_dim3A_56 {strides = array<i32>} : memref<2048x1xf32, #tpu.memory_space<vmem>>, vector<2048x1xf32>,
    } else {
    }
    %get3A = arith.constant 0 : index
    %get3A_4 = arith.constant 0 : index
    %get3A_5 = arith.constant 0 : index
    %get3A_6 = vector.load %arg2[%get3A, %get3A_4, %get3A_5] : memref<1x64x2048xf32, #tpu.memory_space<vmem>>, vector<1x64x2048xf32>
    %get3A_7 = vector.shape_cast %get3A_6 : vector<1x64x2048xf32> to vector<64x2048xf32>
    %get3A_8 = arith.constant 0 : index
    %get3A_9 = arith.constant 0 : index
    %get3A_10 = vector.load %arg3[%get3A_8, %get3A_9] : memref<2048x64xf32, #tpu.memory_space<vmem>>, vector<2048x64xf32>
    %dot_general3A = arith.constant dense<0.000000e+00> : vector<2048x2048xf32>
    %dot_general3A_11 = tpu.matmul %get3A_10, %get3A_7, %dot_general3A {dimension_numbers = #tpu.dot_dimension_numbers<[1], [0], [0], [1], [0, 0, 1, 1], [], []>, transpose_lhs_hint = false} : vector<2048x64xf32>, vector<64x2048xf32>, vector<2048x2048xf32> -> vector<2048x2048xf32>
    %mul3A = arith.mulf %get3A_7, %get3A_7 : vector<64x2048xf32>
    %slice3A = vector.extract_strided_slice %mul3A {offsets = [0, 0], sizes = [32, 2048], strides = [1, 1]} : vector<64x2048xf32> to vector<32x2048xf32>
    %slice3A_12 = vector.extract_strided_slice %mul3A {offsets = [32, 0], sizes = [32, 2048], strides = [1, 1]} : vector<64x2048xf32> to vector<32x2048xf32>
    %add3A = arith.addf %slice3A, %slice3A_12 : vector<32x2048xf32>
    %slice3A_13 = vector.extract_strided_slice %add3A {offsets = [0, 0], sizes = [16, 2048], strides = [1, 1]} : vector<32x2048xf32> to vector<16x2048xf32>
    %slice3A_14 = vector.extract_strided_slice %add3A {offsets = [16, 0], sizes = [16, 2048], strides = [1, 1]} : vector<32x2048xf32> to vector<16x2048xf32>
    %add3A_15 = arith.addf %slice3A_13, %slice3A_14 : vector<16x2048xf32>
    %slice3A_16 = vector.extract_strided_slice %add3A_15 {offsets = [0, 0], sizes = [8, 2048], strides = [1, 1]} : vector<16x2048xf32> to vector<8x2048xf32>
    %slice3A_17 = vector.extract_strided_slice %add3A_15 {offsets = [8, 0], sizes = [8, 2048], strides = [1, 1]} : vector<16x2048xf32> to vector<8x2048xf32>
    %add3A_18 = arith.addf %slice3A_16, %slice3A_17 : vector<8x2048xf32>
    %slice3A_19 = vector.extract_strided_slice %add3A_18 {offsets = [0, 0], sizes = [4, 2048], strides = [1, 1]} : vector<8x2048xf32> to vector<4x2048xf32>
    %slice3A_20 = vector.extract_strided_slice %add3A_18 {offsets = [4, 0], sizes = [4, 2048], strides = [1, 1]} : vector<8x2048xf32> to vector<4x2048xf32>
    %add3A_21 = arith.addf %slice3A_19, %slice3A_20 : vector<4x2048xf32>
    %slice3A_22 = vector.extract_strided_slice %add3A_21 {offsets = [0, 0], sizes = [2, 2048], strides = [1, 1]} : vector<4x2048xf32> to vector<2x2048xf32>
    %slice3A_23 = vector.extract_strided_slice %add3A_21 {offsets = [2, 0], sizes = [2, 2048], strides = [1, 1]} : vector<4x2048xf32> to vector<2x2048xf32>
    %add3A_24 = arith.addf %slice3A_22, %slice3A_23 : vector<2x2048xf32>
    %slice3A_25 = vector.extract_strided_slice %add3A_24 {offsets = [0, 0], sizes = [1, 2048], strides = [1, 1]} : vector<2x2048xf32> to vector<1x2048xf32>
    %slice3A_26 = vector.extract_strided_slice %add3A_24 {offsets = [1, 0], sizes = [1, 2048], strides = [1, 1]} : vector<2x2048xf32> to vector<1x2048xf32>
    %add3A_27 = arith.addf %slice3A_25, %slice3A_26 : vector<1x2048xf32>
    %mul3A_28 = arith.constant 2.000000e+00 : f32
    %mul3A_29 = vector.broadcast %mul3A_28 : f32 to vector<2048x2048xf32>
    %mul3A_30 = arith.mulf %mul3A_29, %dot_general3A_11 : vector<2048x2048xf32>
    %sub3A = vector.broadcast %add3A_27 : vector<1x2048xf32> to vector<2048x2048xf32>
    %sub3A_31 = arith.subf %sub3A, %mul3A_30 : vector<2048x2048xf32>
    %get3A_32 = arith.constant 0 : index
    %get3A_33 = arith.constant 0 : index
    %get3A_34 = vector.load %arg5[%get3A_32, %get3A_33] : memref<2048x1xf32, #tpu.memory_space<vmem>>, vector<2048x1xf32>
    %add3A_35 = vector.broadcast %get3A_34 : vector<2048x1xf32> to vector<2048x2048xf32>
    %add3A_36 = arith.addf %sub3A_31, %add3A_35 : vector<2048x2048xf32>
    %reduce_min3A = arith.constant dense<0x7F800000> : vector<2048xf32>
    %reduce_min3A_37 = vector.multi_reduction <minimumf>, %add3A_36, %reduce_min3A [0] : vector<2048x2048xf32> to vector<2048xf32>
    %broadcast_in_dim3A = vector.shape_cast %reduce_min3A_37 : vector<2048xf32> to vector<1x2048xf32>
    %iota3A = tpu.iota {dimensions = array<i32: 0>} : vector<2048x2048xi32>
    %convert_element_type3A_38 = arith.sitofp %iota3A : vector<2048x2048xi32> to vector<2048x2048xf32>
    %eq3A_39 = vector.broadcast %broadcast_in_dim3A : vector<1x2048xf32> to vector<2048x2048xf32>
    %eq3A_40 = arith.cmpf oeq, %add3A_36, %eq3A_39 : vector<2048x2048xf32>
    %jit3A = arith.constant 2.048000e+03 : f32
    %broadcast_in_dim3A_41 = vector.broadcast %jit3A : f32 to vector<2048x2048xf32>
    %select_n3A = arith.select %eq3A_40, %convert_element_type3A_38, %broadcast_in_dim3A_41 : vector<2048x2048xi1>, vector<2048x2048xf32>
    %reduce_min3A_42 = arith.constant dense<0x7F800000> : vector<2048xf32>
    %reduce_min3A_43 = vector.multi_reduction <minimumf>, %select_n3A, %reduce_min3A_42 [0] : vector<2048x2048xf32> to vector<2048xf32>
    %broadcast_in_dim3A_44 = vector.shape_cast %reduce_min3A_43 : vector<2048xf32> to vector<1x2048xf32>
    %convert_element_type3A_45 = arith.fptosi %broadcast_in_dim3A_44 : vector<1x2048xf32> to vector<1x2048xi32>
    %swap3A = arith.constant 0 : index
    %swap3A_46 = arith.constant 0 : index
    %swap3A_47 = arith.constant 0 : index
    %swap3A_48 = vector.load %arg4[%swap3A, %swap3A_46, %swap3A_47] : memref<1x1x2048xi32, #tpu.memory_space<vmem>>, vector<1x1x2048xi32>
    %swap3A_49 = vector.shape_cast %swap3A_48 : vector<1x1x2048xi32> to vector<1x2048xi32>
    %swap3A_50 = vector.shape_cast %convert_element_type3A_45 : vector<1x2048xi32> to vector<1x1x2048xi32>
    tpu.vector_store %arg4[%swap3A, %swap3A_46, %swap3A_47], %swap3A_50 {strides = array<i32>} : memref<1x1x2048xi32, #tpu.memory_space<vmem>>, vector<1x1x2048xi32>,
    return
  }
  func.func @transform_0(%arg0: i32, %arg1: i32) -> (i32, i32, i32) {
    %add3A = arith.constant 2 : i32
    %add3A_0 = arith.addi %arg1, %add3A : i32
    %c0_i32 = arith.constant 0 : i32
    %c0_i32_1 = arith.constant 0 : i32
    return %arg0, %c0_i32, %add3A_0 : i32, i32, i32
  }
  func.func @transform_1(%arg0: i32, %arg1: i32) -> (i32, i32) {
    %c0_i32 = arith.constant 0 : i32
    %c0_i32_0 = arith.constant 0 : i32
    %c0_i32_1 = arith.constant 0 : i32
    return %c0_i32, %c0_i32_0 : i32, i32
  }
  func.func @transform_2(%arg0: i32, %arg1: i32) -> (i32, i32, i32) {
    %mul3A = arith.constant 1 : i32
    %mul3A_0 = arith.muli %arg0, %mul3A : i32
    %add3A = arith.addi %mul3A_0, %arg1 : i32
    %c0_i32 = arith.constant 0 : i32
    %c0_i32_1 = arith.constant 0 : i32
    %c0_i32_2 = arith.constant 0 : i32
    return %add3A, %c0_i32, %c0_i32_1 : i32, i32, i32
  }
}

module attributes {stable_mosaic.version = 14 : i64} {
  func.func @_tok_block_kernel(%arg0: i32, %arg1: i32, %arg2: memref<1x64x2048xf32, #tpu.memory_space<vmem>>, %arg3: memref<2048x64xf32, #tpu.memory_space<vmem>>, %arg4: memref<1x1x2048xi32, #tpu.memory_space<vmem>>, %arg5: memref<2048x1xf32, #tpu.memory_space<vmem>>) attributes {dimension_semantics = [#tpu.dimension_semantics<arbitrary>, #tpu.dimension_semantics<arbitrary>], iteration_bounds = array<i64: 4, 1>, scalar_prefetch = 0 : i64, scratch_operands = 1 : i64, tpu.core_type = #tpu.core_type<tc>, window_params = [{transform_indices = @transform_0, window_bounds = array<i64: 1, 64, 2048>}, {pipeline_mode = #tpu.pipeline_mode<synchronous>, transform_indices = @transform_1, window_bounds = array<i64: 2048, 64>}, {transform_indices = @transform_2, window_bounds = array<i64: 1, 1, 2048>}]} {
    %eq3A = arith.constant 0 : i32
    %eq3A_0 = arith.cmpi eq, %arg0, %eq3A : i32
    %eq3A_1 = arith.constant 0 : i32
    %eq3A_2 = arith.cmpi eq, %arg1, %eq3A_1 : i32
    %and3A = arith.andi %eq3A_0, %eq3A_2 : i1
    %convert_element_type3A = arith.extui %and3A : i1 to i32
    %cond3A = arith.constant 0 : i32
    %cond3A_3 = arith.cmpi ne, %convert_element_type3A, %cond3A : i32
    scf.if %cond3A_3 {
      %get3A_51 = arith.constant 0 : index
      %get3A_52 = arith.constant 0 : index
      %get3A_53 = vector.load %arg3[%get3A_51, %get3A_52] : memref<2048x64xf32, #tpu.memory_space<vmem>>, vector<2048x64xf32>
      %mul3A_54 = arith.mulf %get3A_53, %get3A_53 : vector<2048x64xf32>
      %reduce_sum3A = arith.constant dense<0.000000e+00> : vector<2048xf32>
      %reduce_sum3A_55 = vector.multi_reduction <add>, %mul3A_54, %reduce_sum3A [1] : vector<2048x64xf32> to vector<2048xf32>
      %broadcast_in_dim3A_56 = vector.shape_cast %reduce_sum3A_55 : vector<2048xf32> to vector<2048x1xf32>
      %swap3A_57 = arith.constant 0 : index
      %swap3A_58 = arith.constant 0 : index
      %swap3A_59 = vector.load %arg5[%swap3A_57, %swap3A_58] : memref<2048x1xf32, #tpu.memory_space<vmem>>, vector<2048x1xf32>
      tpu.vector_store %arg5[%swap3A_57, %swap3A_58], %broadcast_in_dim3A_56 {strides = array<i32>} : memref<2048x1xf32, #tpu.memory_space<vmem>>, vector<2048x1xf32>,
    } else {
    }
    %get3A = arith.constant 0 : index
    %get3A_4 = arith.constant 0 : index
    %get3A_5 = arith.constant 0 : index
    %get3A_6 = vector.load %arg2[%get3A, %get3A_4, %get3A_5] : memref<1x64x2048xf32, #tpu.memory_space<vmem>>, vector<1x64x2048xf32>
    %get3A_7 = vector.shape_cast %get3A_6 : vector<1x64x2048xf32> to vector<64x2048xf32>
    %get3A_8 = arith.constant 0 : index
    %get3A_9 = arith.constant 0 : index
    %get3A_10 = vector.load %arg3[%get3A_8, %get3A_9] : memref<2048x64xf32, #tpu.memory_space<vmem>>, vector<2048x64xf32>
    %dot_general3A = arith.constant dense<0.000000e+00> : vector<2048x2048xf32>
    %dot_general3A_11 = tpu.matmul %get3A_10, %get3A_7, %dot_general3A {dimension_numbers = #tpu.dot_dimension_numbers<[1], [0], [0], [1], [0, 0, 1, 1], [], []>, transpose_lhs_hint = false} : vector<2048x64xf32>, vector<64x2048xf32>, vector<2048x2048xf32> -> vector<2048x2048xf32>
    %mul3A = arith.mulf %get3A_7, %get3A_7 : vector<64x2048xf32>
    %slice3A = vector.extract_strided_slice %mul3A {offsets = [0, 0], sizes = [32, 2048], strides = [1, 1]} : vector<64x2048xf32> to vector<32x2048xf32>
    %slice3A_12 = vector.extract_strided_slice %mul3A {offsets = [32, 0], sizes = [32, 2048], strides = [1, 1]} : vector<64x2048xf32> to vector<32x2048xf32>
    %add3A = arith.addf %slice3A, %slice3A_12 : vector<32x2048xf32>
    %slice3A_13 = vector.extract_strided_slice %add3A {offsets = [0, 0], sizes = [16, 2048], strides = [1, 1]} : vector<32x2048xf32> to vector<16x2048xf32>
    %slice3A_14 = vector.extract_strided_slice %add3A {offsets = [16, 0], sizes = [16, 2048], strides = [1, 1]} : vector<32x2048xf32> to vector<16x2048xf32>
    %add3A_15 = arith.addf %slice3A_13, %slice3A_14 : vector<16x2048xf32>
    %slice3A_16 = vector.extract_strided_slice %add3A_15 {offsets = [0, 0], sizes = [8, 2048], strides = [1, 1]} : vector<16x2048xf32> to vector<8x2048xf32>
    %slice3A_17 = vector.extract_strided_slice %add3A_15 {offsets = [8, 0], sizes = [8, 2048], strides = [1, 1]} : vector<16x2048xf32> to vector<8x2048xf32>
    %add3A_18 = arith.addf %slice3A_16, %slice3A_17 : vector<8x2048xf32>
    %slice3A_19 = vector.extract_strided_slice %add3A_18 {offsets = [0, 0], sizes = [4, 2048], strides = [1, 1]} : vector<8x2048xf32> to vector<4x2048xf32>
    %slice3A_20 = vector.extract_strided_slice %add3A_18 {offsets = [4, 0], sizes = [4, 2048], strides = [1, 1]} : vector<8x2048xf32> to vector<4x2048xf32>
    %add3A_21 = arith.addf %slice3A_19, %slice3A_20 : vector<4x2048xf32>
    %slice3A_22 = vector.extract_strided_slice %add3A_21 {offsets = [0, 0], sizes = [2, 2048], strides = [1, 1]} : vector<4x2048xf32> to vector<2x2048xf32>
    %slice3A_23 = vector.extract_strided_slice %add3A_21 {offsets = [2, 0], sizes = [2, 2048], strides = [1, 1]} : vector<4x2048xf32> to vector<2x2048xf32>
    %add3A_24 = arith.addf %slice3A_22, %slice3A_23 : vector<2x2048xf32>
    %slice3A_25 = vector.extract_strided_slice %add3A_24 {offsets = [0, 0], sizes = [1, 2048], strides = [1, 1]} : vector<2x2048xf32> to vector<1x2048xf32>
    %slice3A_26 = vector.extract_strided_slice %add3A_24 {offsets = [1, 0], sizes = [1, 2048], strides = [1, 1]} : vector<2x2048xf32> to vector<1x2048xf32>
    %add3A_27 = arith.addf %slice3A_25, %slice3A_26 : vector<1x2048xf32>
    %mul3A_28 = arith.constant 2.000000e+00 : f32
    %mul3A_29 = vector.broadcast %mul3A_28 : f32 to vector<2048x2048xf32>
    %mul3A_30 = arith.mulf %mul3A_29, %dot_general3A_11 : vector<2048x2048xf32>
    %sub3A = vector.broadcast %add3A_27 : vector<1x2048xf32> to vector<2048x2048xf32>
    %sub3A_31 = arith.subf %sub3A, %mul3A_30 : vector<2048x2048xf32>
    %get3A_32 = arith.constant 0 : index
    %get3A_33 = arith.constant 0 : index
    %get3A_34 = vector.load %arg5[%get3A_32, %get3A_33] : memref<2048x1xf32, #tpu.memory_space<vmem>>, vector<2048x1xf32>
    %add3A_35 = vector.broadcast %get3A_34 : vector<2048x1xf32> to vector<2048x2048xf32>
    %add3A_36 = arith.addf %sub3A_31, %add3A_35 : vector<2048x2048xf32>
    %reduce_min3A = arith.constant dense<0x7F800000> : vector<2048xf32>
    %reduce_min3A_37 = vector.multi_reduction <minimumf>, %add3A_36, %reduce_min3A [0] : vector<2048x2048xf32> to vector<2048xf32>
    %broadcast_in_dim3A = vector.shape_cast %reduce_min3A_37 : vector<2048xf32> to vector<1x2048xf32>
    %iota3A = tpu.iota {dimensions = array<i32: 0>} : vector<2048x2048xi32>
    %convert_element_type3A_38 = arith.sitofp %iota3A : vector<2048x2048xi32> to vector<2048x2048xf32>
    %eq3A_39 = vector.broadcast %broadcast_in_dim3A : vector<1x2048xf32> to vector<2048x2048xf32>
    %eq3A_40 = arith.cmpf oeq, %add3A_36, %eq3A_39 : vector<2048x2048xf32>
    %jit3A = arith.constant 2.048000e+03 : f32
    %broadcast_in_dim3A_41 = vector.broadcast %jit3A : f32 to vector<2048x2048xf32>
    %select_n3A = arith.select %eq3A_40, %convert_element_type3A_38, %broadcast_in_dim3A_41 : vector<2048x2048xi1>, vector<2048x2048xf32>
    %reduce_min3A_42 = arith.constant dense<0x7F800000> : vector<2048xf32>
    %reduce_min3A_43 = vector.multi_reduction <minimumf>, %select_n3A, %reduce_min3A_42 [0] : vector<2048x2048xf32> to vector<2048xf32>
    %broadcast_in_dim3A_44 = vector.shape_cast %reduce_min3A_43 : vector<2048xf32> to vector<1x2048xf32>
    %convert_element_type3A_45 = arith.fptosi %broadcast_in_dim3A_44 : vector<1x2048xf32> to vector<1x2048xi32>
    %swap3A = arith.constant 0 : index
    %swap3A_46 = arith.constant 0 : index
    %swap3A_47 = arith.constant 0 : index
    %swap3A_48 = vector.load %arg4[%swap3A, %swap3A_46, %swap3A_47] : memref<1x1x2048xi32, #tpu.memory_space<vmem>>, vector<1x1x2048xi32>
    %swap3A_49 = vector.shape_cast %swap3A_48 : vector<1x1x2048xi32> to vector<1x2048xi32>
    %swap3A_50 = vector.shape_cast %convert_element_type3A_45 : vector<1x2048xi32> to vector<1x1x2048xi32>
    tpu.vector_store %arg4[%swap3A, %swap3A_46, %swap3A_47], %swap3A_50 {strides = array<i32>} : memref<1x1x2048xi32, #tpu.memory_space<vmem>>, vector<1x1x2048xi32>,
    return
  }
  func.func @transform_0(%arg0: i32, %arg1: i32) -> (i32, i32, i32) {
    %add3A = arith.constant 1 : i32
    %add3A_0 = arith.addi %arg1, %add3A : i32
    %c0_i32 = arith.constant 0 : i32
    %c0_i32_1 = arith.constant 0 : i32
    return %arg0, %c0_i32, %add3A_0 : i32, i32, i32
  }
  func.func @transform_1(%arg0: i32, %arg1: i32) -> (i32, i32) {
    %c0_i32 = arith.constant 0 : i32
    %c0_i32_0 = arith.constant 0 : i32
    %c0_i32_1 = arith.constant 0 : i32
    return %c0_i32, %c0_i32_0 : i32, i32
  }
  func.func @transform_2(%arg0: i32, %arg1: i32) -> (i32, i32, i32) {
    %mul3A = arith.constant 1 : i32
    %mul3A_0 = arith.muli %arg0, %mul3A : i32
    %add3A = arith.addi %mul3A_0, %arg1 : i32
    %c0_i32 = arith.constant 0 : i32
    %c0_i32_1 = arith.constant 0 : i32
    %c0_i32_2 = arith.constant 0 : i32
    return %add3A, %c0_i32, %c0_i32_1 : i32, i32, i32
  }
}

</mosaic_0001>

<sc_bundles>
// kernel: kernel.10.cloned.1.call-start
scs
__scs_entry_jumppad:
0x0: {  	(pc) =	sbr.rel $0x88, $3  }
0x1: {  	(tag) =	ssettag $0x0;
	lr =	simm.s32 $0x1  }
0x2: {  	[smem:$0x3F9F] =	sst lr;
	_ =	strace $0xD0000000  }
0x3: {  	_ = 	snop  }
0x4: {  	_ = 	snop  }
0x5: {  	_ = 	snop  }
0x6: {  	_ = 	snop  }
0x7: {  	_ = 	snop  }
__scs_overlays_trampoline_lowered:
0x8: {  	[smem:$0x3FAE] =	sst s0  }
0x9: {  	[smem:$0x3FAF] =	sst s1  }
0xa: {  	[smem:$0x3FB0] =	sst s2  }
0xb: {  	[smem:$0x3FB1] =	sst s3  }
0xc: {  	[smem:$0x3FB2] =	sst s4  }
0xd: {  	[smem:$0x3FB3] =	sst s5  }
0xe: {  	[smem:$0x3FB4] =	sst s6  }
0xf: {  	[smem:$0x3FB5] =	sst s7  }
0x10: {  	[smem:$0x3FB6] =	sst s8  }
0x11: {  	[smem:$0x3FB7] =	sst s9;
	s0 =	simm.s32 @!p0 $0x0  }
0x12: {  	s1 =	sld [smem:$0x3F9D];
	s0 =	simm.s32 @p0 $0x1  }
0x13: {  	[smem:$0x3FB8] =	sst s0;
	s0 =	simm.s32 @!p1 $0x0  }
0x14: {  	s2 =	sld [smem:$0x3F9C];
	s0 =	simm.s32 @p1 $0x1  }
0x15: {  	[smem:$0x3FB9] =	sst s0;
	s0 =	simm.s32 @!p2 $0x0  }
0x16: {  	s3 =	sld [smem:$0x3FDB];
	s0 =	simm.s32 @p2 $0x1  }
0x17: {  	s4 =	simm.s32 $0x1BF5;
	[smem:$0x3FBB] =	sst s0  }
0x18: {  	s0 =	sld [smem:$0x3F9E];
	_ =	swait.ge [sflag:s4], $0x0  }
0x19: {  	s7 =	sld [smem:$0x3F9F]  }
0x1a: {  	s8 =	sadd.s32 $0xFFFFE003, lr  }
0x1b: {  	s9 =	sadd.s32 $0xFFFFFEF7, lr;
	s5 =	simm.s32 $0xFFFFFFFF;
	p2 =	slt.u32 s8, $0xFFFFF086  }
0x1c: {  	p1 =	slt.u32 s9, $0xF7A;
	s5 =	simm.s32 @!p2 $0x0  }
0x1d: {  	s5 =	simm.s32 @p1 $0x1;
	p0 =	seq.s32 s7, s2  }
0x1e: {  	s7 =	smul.u32 @!p0 $0xF7A, s2;
	p2 =	seq.s32 @!p0 s5, $0x0  }
0x1f: {  	s9 =	smul.u32 $0xF7A, s1;
	s8 =	simm.s32 @!p0 $0x1BF5;
	p2 =	por !p2, p0  }
0x20: {  	[sflag:s8] =	ssyncset.s32 @!p0 $0xFFFFF086;
	s6 =	sadd.s32 @!p0 s3, s7;
	s7 =	simm.s32 @!p0 $0x108  }
0x21: {  	s3 =	sadd.s32 s3, s9;
	s6 =	sadd.s32 @!p0 $0x88, s6;
	s7 =	simm.s32 @p2 $0x1082  }
0x22: {  	[simem:s7], [sflag:s8] =	dma.local @!p0 [hbm:s6], $0xF7A  }
0x23: {  	s9 =	sor.u32 $0xD0000000, s2;
	s6 =	simm.s32 $0x108;
	_ =	swait.ge @!p0 [sflag:s8], $0x0  }
0x24: {  	s3 =	sadd.s32 $0x88, s3;
	s6 =	simm.s32 @!p1 $0x1082;
	[sflag:s4] =	ssyncset.s32 $0xFFFFF086  }
0x25: {  	[simem:s6], [sflag:s4] =	dma.local [hbm:s3], $0xF7A  }
0x26: {  	[smem:$0x3F9F] =	sst s1;
	(tag) =	ssettag s2;
	_ =	strace s9  }
0x27: {  	s1 =	sld [smem:$0x3FAF]  }
0x28: {  	s2 =	sld [smem:$0x3FB0]  }
0x29: {  	s4 =	sld [smem:$0x3FB2]  }
0x2a: {  	p0 =	seq.s32 s5, $0x0;
	s5 =	sld [smem:$0x3FB3]  }
0x2b: {  	s6 =	sld [smem:$0x3FB4]  }
0x2c: {  	s7 =	sld [smem:$0x3FB5]  }
0x2d: {  	s3 =	simm.s32 $0x108;
	s8 =	sld [smem:$0x3FB6]  }
0x2e: {  	s3 =	simm.s32 @!p0 $0x1082;
	s9 =	sld [smem:$0x3FB7]  }
0x2f: {  	lr =	sadd.s32 s0, s3;
	s0 =	sld [smem:$0x3FAE]  }
0x30: {  	s3 =	sld [smem:$0x3FB1]  }
0x31: {  	[smem:$0x3FBA] =	sst s10  }
0x32: {  	s10 =	sld [smem:$0x3FB8];
	_ =	sdelay $0x3  }
0x33: {  	p0 =	seq.s32 s10, $0x1;
	s10 =	sld [smem:$0x3FBA];
	_ =	sdelay $0x3  }
0x34: {  	[smem:$0x3FBA] =	sst s10  }
0x35: {  	s10 =	sld [smem:$0x3FB9];
	_ =	sdelay $0x3  }
0x36: {  	p1 =	seq.s32 s10, $0x1;
	s10 =	sld [smem:$0x3FBA];
	_ =	sdelay $0x3  }
0x37: {  	[smem:$0x3FBA] =	sst s10  }
0x38: {  	s10 =	sld [smem:$0x3FBB]  }
0x39: {  	_ = 	snop;
	(pc) =	sbr.ind lr, $3  }
0x3a: {  	_ = 	snop  }
0x3b: {  	_ = 	snop  }
0x3c: {  	p2 =	seq.s32 s10, $0x1;
	s10 =	sld [smem:$0x3FBA]  }
0x3d: {  	_ =	shalt  }
0x3e: {  	_ =	shalt  }
0x3f: {  	_ =	shalt  }
0x40: {  	_ =	shalt  }
0x41: {  	_ =	shalt  }
0x42: {  	_ =	shalt  }
0x43: {  	_ =	shalt  }
0x44: {  	_ =	shalt  }
0x45: {  	_ =	shalt  }
0x46: {  	_ =	shalt  }
0x47: {  	_ =	shalt  }
0x48: {  	_ =	shalt  }
0x49: {  	_ =	shalt  }
0x4a: {  	_ =	shalt  }
0x4b: {  	_ =	shalt  }
0x4c: {  	_ =	shalt  }
0x4d: {  	_ =	shalt  }
0x4e: {  	_ =	shalt  }
0x4f: {  	_ =	shalt  }
0x50: {  	_ =	shalt  }
0x51: {  	_ =	shalt  }
0x52: {  	_ =	shalt  }
0x53: {  	_ =	shalt  }
0x54: {  	_ =	shalt  }
0x55: {  	_ =	shalt  }
0x56: {  	_ =	shalt  }
0x57: {  	_ =	shalt  }
0x58: {  	_ =	shalt  }
0x59: {  	_ =	shalt  }
0x5a: {  	_ =	shalt  }
0x5b: {  	_ =	shalt  }
0x5c: {  	_ =	shalt  }
0x5d: {  	_ =	shalt  }
0x5e: {  	_ =	shalt  }
0x5f: {  	_ =	shalt  }
0x60: {  	_ =	shalt  }
0x61: {  	_ =	shalt  }
0x62: {  	_ =	shalt  }
0x63: {  	_ =	shalt  }
0x64: {  	_ =	shalt  }
0x65: {  	_ =	shalt  }
0x66: {  	_ =	shalt  }
0x67: {  	_ =	shalt  }
0x68: {  	_ =	shalt  }
0x69: {  	_ =	shalt  }
0x6a: {  	_ =	shalt  }
0x6b: {  	_ =	shalt  }
0x6c: {  	_ =	shalt  }
0x6d: {  	_ =	shalt  }
0x6e: {  	_ =	shalt  }
0x6f: {  	_ =	shalt  }
0x70: {  	_ =	shalt  }
0x71: {  	_ =	shalt  }
0x72: {  	_ =	shalt  }
0x73: {  	_ =	shalt  }
0x74: {  	_ =	shalt  }
0x75: {  	_ =	shalt  }
0x76: {  	_ =	shalt  }
0x77: {  	_ =	shalt  }
0x78: {  	_ =	shalt  }
0x79: {  	_ =	shalt  }
0x7a: {  	_ =	shalt  }
0x7b: {  	_ =	shalt  }
0x7c: {  	_ =	shalt  }
0x7d: {  	_ =	shalt  }
0x7e: {  	_ =	shalt  }
0x7f: {  	_ =	shalt  }
0x80: {  	_ =	shalt  }
0x81: {  	_ =	shalt  }
0x82: {  	_ =	shalt  }
0x83: {  	_ =	shalt  }
0x84: {  	_ =	shalt  }
0x85: {  	_ =	shalt  }
0x86: {  	_ =	shalt  }
0x87: {  	_ =	shalt  }
.Lfunc_end0:
.L_simem_size_0:
called_computation_lowered:
.L_overlay_start_0:
0x88: {  	s2 =	sld [smem:$0x3FD9]  }
0x89: {  	s3 =	sld [smem:$0x3FFE];
	_ =	sdelay $0x1  }
0x8a: {  	s1 =	srdreg.scid  }
0x8b: {  	s0 =	sand.u32 $0x1, s1  }
0x8c: {  	s16 =	sshll.u32 s0, $0xA;
	s2 =	sadd.s32 s3, s2  }
0x8d: {  	s2 =	sadd.s32 s2, s16  }
0x8e: {  	[smem:$0x3FC6] =	sst s2  }
0x8f: {  	_ = 	snop  }
0x90: {  	(tm) =	ssettm $0x1  }
0x91: {  	s17 =	sld [smem:$0x3FFB];
	_ =	sdelay $0x3  }
0x92: {  	_ =	strace s17  }
0x93: {  	s2 =	sld [smem:$0x3FFC];
	_ =	sdelay $0x3  }
0x94: {  	_ =	strace s2  }
0x95: {  	s2 =	sld [smem:$0x3FFD];
	_ =	sdelay $0x3  }
0x96: {  	_ =	strace s2  }
0x97: {  	_ =	strace $0x8FFFFFFF  }
0x98: {  	s18 =	sld [smem:$0x3FDB];
	_ =	sdelay $0x1  }
0x99: {  	s19 =	simm.s32 $_scs_section_size  }
0x9a: {  	s4 =	simm.s32 $_size__tile_overlayer_lowered;
	s5 =	simm.s32 $_tile_overlayer_lowered  }
0x9b: {  	s22 =	simm.s32 $0x1BFF;
	s21 =	sshll.u32 s5, $0x1;
	s2 =	sadd.s32 s19, s18  }
0x9c: {  	s6 =	simm.s32 $0x0;
	s20 =	sshll.u32 s4, $0x1;
	s4 =	sadd.s32 s21, s2  }
0x9d: {  	[timem:s6], [sflag:s22] =	dma.local [hbm:s4], s20  }
0x9e: {  	_ =	swait.ge [sflag:s22], s20  }
0x9f: {  	s3 =	ssub.s32 $0x0, s20;
	[sflag:s22] =	ssyncset.done $0x0  }
0xa0: {  	[sflag:s22] =	ssyncadd.s32 s3;
	_ =	sdelay $0x1  }
0xa1: {  	s23 =	simm.s32 $0x1B8B  }
0xa2: {  	_ =	swait.ge [sflag:s23], $0x1  }
0xa3: {  	[sflag:s23] =	ssyncset.done $0x0  }
0xa4: {  	s25 =	simm.s32 $0x1B8E;
	s24 =	sld [smem:$0x3FFE];
	[sflag:s23] =	ssyncadd.s32 $0xFFFFFFFF  }
0xa5: {  	s26 =	simm.s32 $execute0_lowered;
	[smem:$0x3FD2] =	sst s25  }
0xa6: {  	s4 =	sshll.u32 s26, $0x1;
	_ =	strace $0x80000046;
	[dreg:$0x1] =	wrdreg $0xFFFFFFFF  }
0xa7: {  	s28 =	simm.s32 $_size_execute0_lowered;
	s2 =	sadd.s32 s2, s4;
	[dreg:$0x0] =	wrdreg $0x0  }
0xa8: {  	s4 =	sshll.u32 s28, $0x1;
	[dreg:$0x2] =	wrdreg s2  }
0xa9: {  	[dreg:$0x3] =	wrdreg s4  }
0xaa: {  	[dreg:$0x4] =	wrdreg $0xC0  }
0xab: {  	_ =	task [dreg:s6], $0x5FFFF  }
0xac: {  	[dreg:$0x1] =	wrdreg $0xFFFFFFFF  }
0xad: {  	[dreg:$0x0] =	wrdreg $0x60  }
0xae: {  	[dreg:$0x2] =	wrdreg s24  }
0xaf: {  	[dreg:$0x3] =	wrdreg $0x81000  }
0xb0: {  	[dreg:$0x4] =	wrdreg $0x9  }
0xb1: {  	_ =	task.clear_ibuf [dreg:s6], $0x5FFFF;
	_ =	strace $0x90000046  }
0xb2: {  	s29 =	simm.s32 $0x9;
	_ =	strace $0x80000048  }
0xb3: {  	_ =	swait.ge [sflag:s29], $0x1  }
0xb4: {  	[sflag:s29] =	ssyncadd.s32 $0xFFFFFFFF  }
0xb5: {  	_ =	strace $0x90000048  }
0xb6: {  	_ =	sfence  }
0xb7: {  	s30 =	sld [smem:$0x0];
	_ =	sdelay $0x2  }
0xb8: {  	s31 =	sshll.u32 s1, $0xD;
	s1 =	sshrl.u32 s1, $0x2  }
0xb9: {  	s3 =	sand.u32 $0x4000, s31;
	s1 =	sadd.s32 s1, s30  }
0xba: {  	s0 =	sor.u32 s3, s0;
	s1 =	sshll.u32 s1, $0x11  }
0xbb: {  	s0 =	sor.u32 s1, s0  }
0xbc: {  	s0 =	sadd.s32 $0x8F2B, s0  }
0xbd: {  	[sflag:s0] =	ssyncadd.remote.s32 $0x1  }
0xbe: {  	_ =	sfence.sel $0xFFFF  }
0xbf: {  	[dreg:$0x0] =	wrdreg $0xFFFFFFFF;
	(pc) =	sbr.abs _section_cstart, $3  }
0xc0: {  	[dreg:$0x1] =	wrdreg $0xFFFFFFFF  }
0xc1: {  	_ =	task.clear_ibuf [dreg:s6], $0x2FFFF;
	_ =	strace $0x9FFFFFFF  }
0xc2: {  	(tm) =	ssettm $0x7FFFFFFF  }
0xc3: {  	_ =	shalt  }
tec
execute0_lowered:
.L_overlay_start_1:
0x0: {  	(tag) =	ssettag $0x1  }
0x1: {  	s1 =	srdreg.scid  }
0x2: {  	s3 =	rddreg [dreg:$0x0];
	s4 =	stileid.u32;
	s5 =	sand.u32 $0x1, s1  }
0x3: {  	s6 =	sshll.u32 s4, $0x9;
	s7 =	sshll.u32 s5, $0x8;
	s5 =	ssub.s32 $0x2, s5  }
0x4: {  	s10 =	sadd.s32 $0x2A00, s3;
	s6 =	sor.u32 s7, s6;
	s8 =	sshrl.u32 s5, $0x1  }
0x5: {  	s7 =	sshrl.u32 s6, $0x3;
	s6 =	sshll.u32 s6, $0x4;
	s31 =	ssub.s32 s5, s8  }
0x6: {  	s7 =	sadd.s32 s7, s3;
	s3 =	sadd.s32 s6, s3;
	s6 =	smax.u32 s31, $0x1  }
0x7: {  	s2 =	rddreg [dreg:$0x1];
	s16 =	sadd.s32 $0xFFFFFFFF, s6  }
0x8: {  	s0 =	rddreg [dreg:$0x2];
	s11 =	simm.s32 $0x80;
	p2 =	sne.s32 s16, $0x0  }
.Ltmp0:
0x9: {  	s9 =	simm.s32 $0x100;
	s12 =	simm.s32 $0x1;
	(pc) =	sbr.rel @!p2 .LBB2_3-.Ltmp0, $4  }
0xa: {  	p1 =	por $0x0, $0x0;
	s1 =	simm.s32 $0x0;
	p0 =	sne.s32 s4, $0x0  }
0xb: {  	s4 =	simm.s32 $0x3;
	[smem:$0x7FF] =	sst s1;
	s13 =	sshrl.u32 @!p0 s2, $0x3  }
0xc: {  	_ =	strace $0x80000047;
	s8 =	sadd.s32 $0x2600, s7;
	s5 =	sadd.s32 $0xAA00, s3  }
0xd: {  	s3 =	sadd.s32 $0xB200, s3;
	s6 =	simm.s32 $0x4100;
	s7 =	simm.s32 $0x2  }
0xe: {  	s14 =	simm.s32 @!p0 $0x1C03;
	s15 =	simm.s32 @!p0 $0x3  }
0xf: {  	[spmem:s13], [sflag:s14] =	dma.local @!p0 [hbm:s10], $0x8000  }
0x10: {  	_ =	swait.ge @!p0 [sflag:s15], $0x8000  }
0x11: {  	[sflag:s15] =	ssyncset.done @!p0 $0x0  }
0x12: {  	[sflag:s15] =	ssyncadd.s32 @!p0 $0xFFFF8000  }
0x13: {  	[bflag:$0x0] =	sbarrier.arrive $0xFFFF  }
0x14: {  	[tilespmem:s1], [sflag:$0x3] =	stream.linear.gather [hbm4b:s8+s1], $0x100, $0x38;
	[tilespmem:$0xC100] =	vst v63  }
0x15: {  	_ =	swait.ge [sflag:s4], $0x100  }
0x16: {  	[sflag:s4] =	ssyncset.done $0x0  }
0x17: {  	[sflag:s4] =	ssyncadd.s32 $0xFFFFFF00  }
0x18: {  	[tilespmem:s9], [sflag:$0x1] =	stream.indirect.gather [spmem:s2], $0x80, s1, s11, $0xb8;
	[tilespmem:$0xC100] =	vst v63  }
0x19: {  	_ = 	snop  }
0x1a: {  	[tilespmem:s6], [sflag:$0x2] =	stream.indirect.gather [spmem:s2], $0x80, s11, s11, $0xb8;
	[tilespmem:$0xC100] =	vst v63  }
0x1b: {  	_ =	swait.ge [sflag:s12], $0x4000  }
0x1c: {  	[sflag:s12] =	ssyncset.done $0x0  }
0x1d: {  	[sflag:s12] =	ssyncadd.s32 $0xFFFFC000  }
0x1e: {  	[hbm4b:s5+s1] =	stream.linear.scatter [tilespmem:s9], [sflag:$0x3], $0x4000, $0x38;
	[tilespmem:$0xC100] =	vst v63  }
0x1f: {  	_ =	swait.ge [sflag:s4], $0x4000  }
0x20: {  	[sflag:s4] =	ssyncset.done $0x0  }
0x21: {  	s16 =	sadd.s32 $0xFFFFFFFF, s16;
	[sflag:s4] =	ssyncadd.s32 $0xFFFFC000  }
0x22: {  	p2 =	sne.s32 s16, $0x0;
	_ =	swait.ge [sflag:s7], $0x4000  }
.Ltmp1:
0x23: {  	[sflag:s7] =	ssyncset.done $0x0;
	(pc) =	sbr.rel @!p2 .LBB2_3-.Ltmp1, $4  }
0x24: {  	[sflag:s7] =	ssyncadd.s32 $0xFFFFC000  }
0x25: {  	[hbm4b:s3+s1] =	stream.linear.scatter [tilespmem:s6], [sflag:$0x3], $0x4000, $0x38;
	[tilespmem:$0xC100] =	vst v63  }
0x26: {  	_ =	swait.ge [sflag:s4], $0x4000  }
0x27: {  	p1 =	por $0x1, $0x1;
	[sflag:s4] =	ssyncset.done $0x0  }
.LBB2_2:
0x28: {  	[sflag:s4] =	ssyncadd.s32 $0xFFFFC000  }
0x29: {  	[spmem:s13], [sflag:s14] =	dma.local @!p0 [hbm:s10], $0x8000  }
0x2a: {  	s16 =	sadd.s32 $0xFFFFFFFF, s16;
	_ =	swait.ge @!p0 [sflag:s15], $0x8000  }
0x2b: {  	p2 =	sne.s32 s16, $0x0;
	[sflag:s15] =	ssyncset.done @!p0 $0x0  }
0x2c: {  	[sflag:s15] =	ssyncadd.s32 @!p0 $0xFFFF8000  }
0x2d: {  	[bflag:$0x0] =	sbarrier.arrive $0xFFFF  }
0x2e: {  	[tilespmem:s1], [sflag:$0x3] =	stream.linear.gather [hbm4b:s8+s1], $0x100, $0x38;
	[tilespmem:$0xC100] =	vst v63  }
0x2f: {  	_ =	swait.ge [sflag:s4], $0x100  }
0x30: {  	[sflag:s4] =	ssyncset.done $0x0  }
0x31: {  	[sflag:s4] =	ssyncadd.s32 $0xFFFFFF00  }
0x32: {  	[tilespmem:s9], [sflag:$0x1] =	stream.indirect.gather [spmem:s2], $0x80, s1, s11, $0xb8;
	[tilespmem:$0xC100] =	vst v63  }
0x33: {  	_ = 	snop  }
0x34: {  	[tilespmem:s6], [sflag:$0x2] =	stream.indirect.gather [spmem:s2], $0x80, s11, s11, $0xb8;
	[tilespmem:$0xC100] =	vst v63  }
0x35: {  	_ =	swait.ge [sflag:s12], $0x4000  }
0x36: {  	[sflag:s12] =	ssyncset.done $0x0  }
0x37: {  	[sflag:s12] =	ssyncadd.s32 $0xFFFFC000  }
0x38: {  	[hbm4b:s5+s1] =	stream.linear.scatter [tilespmem:s9], [sflag:$0x3], $0x4000, $0x38;
	[tilespmem:$0xC100] =	vst v63  }
0x39: {  	_ =	swait.ge [sflag:s4], $0x4000  }
0x3a: {  	[sflag:s4] =	ssyncset.done $0x0  }
0x3b: {  	[sflag:s4] =	ssyncadd.s32 $0xFFFFC000  }
0x3c: {  	_ =	swait.ge [sflag:s7], $0x4000  }
.Ltmp2:
0x3d: {  	[sflag:s7] =	ssyncset.done $0x0;
	(pc) =	sbr.rel @p2 .LBB2_2-.Ltmp2, $4  }
0x3e: {  	[sflag:s7] =	ssyncadd.s32 $0xFFFFC000  }
0x3f: {  	[hbm4b:s3+s1] =	stream.linear.scatter [tilespmem:s6], [sflag:$0x3], $0x4000, $0x38;
	[tilespmem:$0xC100] =	vst v63  }
0x40: {  	_ =	swait.ge [sflag:s4], $0x4000  }
0x41: {  	[sflag:s4] =	ssyncset.done $0x0  }
.LBB2_3:
0x42: {  	s14 =	simm.s32 @!p0 $0x1C03;
	s15 =	simm.s32 @!p0 $0x3;
	[sflag:s4] =	ssyncadd.s32 @p1 $0xFFFFC000  }
0x43: {  	[spmem:s13], [sflag:s14] =	dma.local @!p0 [hbm:s10], $0x8000  }
0x44: {  	_ =	swait.ge @!p0 [sflag:s15], $0x8000  }
0x45: {  	[sflag:s15] =	ssyncset.done @!p0 $0x0  }
0x46: {  	[sflag:s15] =	ssyncadd.s32 @!p0 $0xFFFF8000  }
0x47: {  	[bflag:$0x0] =	sbarrier.arrive $0xFFFF  }
0x48: {  	[tilespmem:s1], [sflag:$0x3] =	stream.linear.gather [hbm4b:s8+s1], $0x100, $0x38;
	[tilespmem:$0xC100] =	vst v63  }
0x49: {  	_ =	swait.ge [sflag:s4], $0x100  }
0x4a: {  	[sflag:s4] =	ssyncset.done $0x0  }
0x4b: {  	[sflag:s4] =	ssyncadd.s32 $0xFFFFFF00  }
0x4c: {  	[tilespmem:s9], [sflag:$0x1] =	stream.indirect.gather [spmem:s2], $0x80, s1, s11, $0xb8;
	[tilespmem:$0xC100] =	vst v63  }
0x4d: {  	_ = 	snop  }
0x4e: {  	[tilespmem:s6], [sflag:$0x2] =	stream.indirect.gather [spmem:s2], $0x80, s11, s11, $0xb8;
	[tilespmem:$0xC100] =	vst v63  }
0x4f: {  	_ =	swait.ge [sflag:s12], $0x4000  }
0x50: {  	[sflag:s12] =	ssyncset.done $0x0  }
0x51: {  	[sflag:s12] =	ssyncadd.s32 $0xFFFFC000  }
0x52: {  	[hbm4b:s5+s1] =	stream.linear.scatter [tilespmem:s9], [sflag:$0x3], $0x4000, $0x38;
	[tilespmem:$0xC100] =	vst v63  }
0x53: {  	_ =	swait.ge [sflag:s4], $0x4000  }
0x54: {  	[sflag:s4] =	ssyncset.done $0x0  }
0x55: {  	[sflag:s4] =	ssyncadd.s32 $0xFFFFC000  }
0x56: {  	_ =	swait.ge [sflag:s7], $0x4000  }
0x57: {  	[sflag:s7] =	ssyncset.done $0x0  }
0x58: {  	[sflag:s7] =	ssyncadd.s32 $0xFFFFC000  }
0x59: {  	[hbm4b:s3+s1] =	stream.linear.scatter [tilespmem:s6], [sflag:$0x3], $0x4000, $0x38;
	[tilespmem:$0xC100] =	vst v63  }
0x5a: {  	_ =	swait.ge [sflag:s4], $0x4000  }
0x5b: {  	[sflag:s4] =	ssyncset.done $0x0  }
0x5c: {  	[sflag:s4] =	ssyncadd.s32 $0xFFFFC000  }
0x5d: {  	_ =	sfence.sel $0x180000  }
0x5e: {  	[bflag:$0x0] =	sbarrier.arrive $0xFFFF  }
0x5f: {  	_ =	strace $0x90000047  }
0x60: {  	s0 =	sadd.s32 @!p0 $0x100000, s0;
	[bflag:$0x2] =	sbarrier.arrive $0xFFFF  }
0x61: {  	[sflag:s0] =	ssyncadd.tile.s32 @!p0 $0x1;
	_ =	shalt  }
.Lfunc_end2:
_tile_overlayer_lowered:
.L_overlay_start_2:
0x62: {  	(tag) =	ssettag $0x2  }
0x63: {  	s0 =	rddreg [dreg:$0x0];
	s2 =	stileid.u32  }
0x64: {  	s1 =	rddreg [dreg:$0x1];
	p0 =	sne.s32 s2, $0x0  }
0x65: {  	s3 =	rddreg [dreg:$0x2];
	[bflag:$0x3] =	sbarrier.arrive $0xFFFF;
	s2 =	simm.s32 @!p0 $0x1C03  }
0x66: {  	[timem:s3], [sflag:s2] =	dma.local @!p0 [hbm:s0], s1  }
0x67: {  	s0 =	simm.s32 @!p0 $0x3  }
0x68: {  	_ =	swait.ge @!p0 [sflag:s0], s1  }
0x69: {  	s1 =	ssub.s32 @!p0 $0x0, s1;
	[sflag:s0] =	ssyncset.done @!p0 $0x0  }
0x6a: {  	[sflag:s0] =	ssyncadd.s32 @!p0 s1  }
0x6b: {  	[bflag:$0x3] =	sbarrier.arrive $0xFFFF  }
0x6c: {  	_ =	shalt  }

// kernel: kernel.13.cloned.1.call-start
scs
__scs_entry_jumppad:
0x0: {  	(pc) =	sbr.rel $0x88, $3  }
0x1: {  	(tag) =	ssettag $0x0;
	lr =	simm.s32 $0x1  }
0x2: {  	[smem:$0x3F9F] =	sst lr;
	_ =	strace $0xD0000000  }
0x3: {  	_ = 	snop  }
0x4: {  	_ = 	snop  }
0x5: {  	_ = 	snop  }
0x6: {  	_ = 	snop  }
0x7: {  	_ = 	snop  }
__scs_overlays_trampoline_lowered:
0x8: {  	[smem:$0x3FAE] =	sst s0  }
0x9: {  	[smem:$0x3FAF] =	sst s1  }
0xa: {  	[smem:$0x3FB0] =	sst s2  }
0xb: {  	[smem:$0x3FB1] =	sst s3  }
0xc: {  	[smem:$0x3FB2] =	sst s4  }
0xd: {  	[smem:$0x3FB3] =	sst s5  }
0xe: {  	[smem:$0x3FB4] =	sst s6  }
0xf: {  	[smem:$0x3FB5] =	sst s7  }
0x10: {  	[smem:$0x3FB6] =	sst s8  }
0x11: {  	[smem:$0x3FB7] =	sst s9;
	s0 =	simm.s32 @!p0 $0x0  }
0x12: {  	s1 =	sld [smem:$0x3F9D];
	s0 =	simm.s32 @p0 $0x1  }
0x13: {  	[smem:$0x3FB8] =	sst s0;
	s0 =	simm.s32 @!p1 $0x0  }
0x14: {  	s2 =	sld [smem:$0x3F9C];
	s0 =	simm.s32 @p1 $0x1  }
0x15: {  	[smem:$0x3FB9] =	sst s0;
	s0 =	simm.s32 @!p2 $0x0  }
0x16: {  	s3 =	sld [smem:$0x3FDB];
	s0 =	simm.s32 @p2 $0x1  }
0x17: {  	s4 =	simm.s32 $0x1BF5;
	[smem:$0x3FBB] =	sst s0  }
0x18: {  	s0 =	sld [smem:$0x3F9E];
	_ =	swait.ge [sflag:s4], $0x0  }
0x19: {  	s7 =	sld [smem:$0x3F9F]  }
0x1a: {  	s8 =	sadd.s32 $0xFFFFE003, lr  }
0x1b: {  	s9 =	sadd.s32 $0xFFFFFEF7, lr;
	s5 =	simm.s32 $0xFFFFFFFF;
	p2 =	slt.u32 s8, $0xFFFFF086  }
0x1c: {  	p1 =	slt.u32 s9, $0xF7A;
	s5 =	simm.s32 @!p2 $0x0  }
0x1d: {  	s5 =	simm.s32 @p1 $0x1;
	p0 =	seq.s32 s7, s2  }
0x1e: {  	s7 =	smul.u32 @!p0 $0xF7A, s2;
	p2 =	seq.s32 @!p0 s5, $0x0  }
0x1f: {  	s9 =	smul.u32 $0xF7A, s1;
	s8 =	simm.s32 @!p0 $0x1BF5;
	p2 =	por !p2, p0  }
0x20: {  	[sflag:s8] =	ssyncset.s32 @!p0 $0xFFFFF086;
	s6 =	sadd.s32 @!p0 s3, s7;
	s7 =	simm.s32 @!p0 $0x108  }
0x21: {  	s3 =	sadd.s32 s3, s9;
	s6 =	sadd.s32 @!p0 $0x88, s6;
	s7 =	simm.s32 @p2 $0x1082  }
0x22: {  	[simem:s7], [sflag:s8] =	dma.local @!p0 [hbm:s6], $0xF7A  }
0x23: {  	s9 =	sor.u32 $0xD0000000, s2;
	s6 =	simm.s32 $0x108;
	_ =	swait.ge @!p0 [sflag:s8], $0x0  }
0x24: {  	s3 =	sadd.s32 $0x88, s3;
	s6 =	simm.s32 @!p1 $0x1082;
	[sflag:s4] =	ssyncset.s32 $0xFFFFF086  }
0x25: {  	[simem:s6], [sflag:s4] =	dma.local [hbm:s3], $0xF7A  }
0x26: {  	[smem:$0x3F9F] =	sst s1;
	(tag) =	ssettag s2;
	_ =	strace s9  }
0x27: {  	s1 =	sld [smem:$0x3FAF]  }
0x28: {  	s2 =	sld [smem:$0x3FB0]  }
0x29: {  	s4 =	sld [smem:$0x3FB2]  }
0x2a: {  	p0 =	seq.s32 s5, $0x0;
	s5 =	sld [smem:$0x3FB3]  }
0x2b: {  	s6 =	sld [smem:$0x3FB4]  }
0x2c: {  	s7 =	sld [smem:$0x3FB5]  }
0x2d: {  	s3 =	simm.s32 $0x108;
	s8 =	sld [smem:$0x3FB6]  }
0x2e: {  	s3 =	simm.s32 @!p0 $0x1082;
	s9 =	sld [smem:$0x3FB7]  }
0x2f: {  	lr =	sadd.s32 s0, s3;
	s0 =	sld [smem:$0x3FAE]  }
0x30: {  	s3 =	sld [smem:$0x3FB1]  }
0x31: {  	[smem:$0x3FBA] =	sst s10  }
0x32: {  	s10 =	sld [smem:$0x3FB8];
	_ =	sdelay $0x3  }
0x33: {  	p0 =	seq.s32 s10, $0x1;
	s10 =	sld [smem:$0x3FBA];
	_ =	sdelay $0x3  }
0x34: {  	[smem:$0x3FBA] =	sst s10  }
0x35: {  	s10 =	sld [smem:$0x3FB9];
	_ =	sdelay $0x3  }
0x36: {  	p1 =	seq.s32 s10, $0x1;
	s10 =	sld [smem:$0x3FBA];
	_ =	sdelay $0x3  }
0x37: {  	[smem:$0x3FBA] =	sst s10  }
0x38: {  	s10 =	sld [smem:$0x3FBB]  }
0x39: {  	_ = 	snop;
	(pc) =	sbr.ind lr, $3  }
0x3a: {  	_ = 	snop  }
0x3b: {  	_ = 	snop  }
0x3c: {  	p2 =	seq.s32 s10, $0x1;
	s10 =	sld [smem:$0x3FBA]  }
0x3d: {  	_ =	shalt  }
0x3e: {  	_ =	shalt  }
0x3f: {  	_ =	shalt  }
0x40: {  	_ =	shalt  }
0x41: {  	_ =	shalt  }
0x42: {  	_ =	shalt  }
0x43: {  	_ =	shalt  }
0x44: {  	_ =	shalt  }
0x45: {  	_ =	shalt  }
0x46: {  	_ =	shalt  }
0x47: {  	_ =	shalt  }
0x48: {  	_ =	shalt  }
0x49: {  	_ =	shalt  }
0x4a: {  	_ =	shalt  }
0x4b: {  	_ =	shalt  }
0x4c: {  	_ =	shalt  }
0x4d: {  	_ =	shalt  }
0x4e: {  	_ =	shalt  }
0x4f: {  	_ =	shalt  }
0x50: {  	_ =	shalt  }
0x51: {  	_ =	shalt  }
0x52: {  	_ =	shalt  }
0x53: {  	_ =	shalt  }
0x54: {  	_ =	shalt  }
0x55: {  	_ =	shalt  }
0x56: {  	_ =	shalt  }
0x57: {  	_ =	shalt  }
0x58: {  	_ =	shalt  }
0x59: {  	_ =	shalt  }
0x5a: {  	_ =	shalt  }
0x5b: {  	_ =	shalt  }
0x5c: {  	_ =	shalt  }
0x5d: {  	_ =	shalt  }
0x5e: {  	_ =	shalt  }
0x5f: {  	_ =	shalt  }
0x60: {  	_ =	shalt  }
0x61: {  	_ =	shalt  }
0x62: {  	_ =	shalt  }
0x63: {  	_ =	shalt  }
0x64: {  	_ =	shalt  }
0x65: {  	_ =	shalt  }
0x66: {  	_ =	shalt  }
0x67: {  	_ =	shalt  }
0x68: {  	_ =	shalt  }
0x69: {  	_ =	shalt  }
0x6a: {  	_ =	shalt  }
0x6b: {  	_ =	shalt  }
0x6c: {  	_ =	shalt  }
0x6d: {  	_ =	shalt  }
0x6e: {  	_ =	shalt  }
0x6f: {  	_ =	shalt  }
0x70: {  	_ =	shalt  }
0x71: {  	_ =	shalt  }
0x72: {  	_ =	shalt  }
0x73: {  	_ =	shalt  }
0x74: {  	_ =	shalt  }
0x75: {  	_ =	shalt  }
0x76: {  	_ =	shalt  }
0x77: {  	_ =	shalt  }
0x78: {  	_ =	shalt  }
0x79: {  	_ =	shalt  }
0x7a: {  	_ =	shalt  }
0x7b: {  	_ =	shalt  }
0x7c: {  	_ =	shalt  }
0x7d: {  	_ =	shalt  }
0x7e: {  	_ =	shalt  }
0x7f: {  	_ =	shalt  }
0x80: {  	_ =	shalt  }
0x81: {  	_ =	shalt  }
0x82: {  	_ =	shalt  }
0x83: {  	_ =	shalt  }
0x84: {  	_ =	shalt  }
0x85: {  	_ =	shalt  }
0x86: {  	_ =	shalt  }
0x87: {  	_ =	shalt  }
.Lfunc_end0:
.L_simem_size_0:
called_computation.1_lowered:
.L_overlay_start_0:
0x88: {  	s2 =	sld [smem:$0x3FD9]  }
0x89: {  	s3 =	sld [smem:$0x3FFE];
	_ =	sdelay $0x1  }
0x8a: {  	s1 =	srdreg.scid  }
0x8b: {  	s0 =	sand.u32 $0x1, s1  }
0x8c: {  	s15 =	sshll.u32 s0, $0xA;
	s2 =	sadd.s32 s3, s2  }
0x8d: {  	s2 =	sadd.s32 s2, s15  }
0x8e: {  	[smem:$0x3FC6] =	sst s2  }
0x8f: {  	_ = 	snop  }
0x90: {  	s2 =	sld [smem:$0x3FD0];
	_ =	sdelay $0x2  }
0x91: {  	s16 =	simm.s32 $0xD;
	s4 =	simm.s32 $0x10  }
0x92: {  	[smem:s4], [sflag:s16] =	dma.local [hbm:s2], $0x1  }
0x93: {  	_ =	swait.eq [sflag:s16], $0x1  }
0x94: {  	[sflag:s16] =	ssyncset.done $0x0  }
0x95: {  	[sflag:s16] =	ssyncadd.s32 $0xFFFFFFFF  }
0x96: {  	s17 =	sld [smem:$0x11];
	(tm) =	ssettm $0x1  }
0x97: {  	s18 =	sld [smem:$0x3FFB];
	_ =	sdelay $0x3  }
0x98: {  	_ =	strace s18  }
0x99: {  	s2 =	sld [smem:$0x3FFC];
	_ =	sdelay $0x3  }
0x9a: {  	_ =	strace s2  }
0x9b: {  	s2 =	sld [smem:$0x3FFD];
	_ =	sdelay $0x3  }
0x9c: {  	_ =	strace s2  }
0x9d: {  	_ =	strace $0x8FFFFFFF  }
0x9e: {  	s19 =	sld [smem:$0x3FDB];
	_ =	sdelay $0x1  }
0x9f: {  	s20 =	simm.s32 $_scs_section_size  }
0xa0: {  	s5 =	simm.s32 $_size__tile_overlayer_lowered;
	s6 =	simm.s32 $_tile_overlayer_lowered  }
0xa1: {  	s7 =	simm.s32 $0x1BFF;
	s21 =	sshll.u32 s6, $0x1;
	s4 =	sadd.s32 s20, s19  }
0xa2: {  	s22 =	simm.s32 $0x0;
	s5 =	sshll.u32 s5, $0x1;
	s6 =	sadd.s32 s21, s4  }
0xa3: {  	[timem:s22], [sflag:s7] =	dma.local [hbm:s6], s5  }
0xa4: {  	_ =	swait.ge [sflag:s7], s5  }
0xa5: {  	s5 =	ssub.s32 $0x0, s5;
	[sflag:s7] =	ssyncset.done $0x0  }
0xa6: {  	[sflag:s7] =	ssyncadd.s32 s5;
	_ =	sdelay $0x1  }
0xa7: {  	s23 =	simm.s32 $0x1B8B  }
0xa8: {  	_ =	swait.ge [sflag:s23], $0x1  }
0xa9: {  	[sflag:s23] =	ssyncset.done $0x0  }
0xaa: {  	[sflag:s23] =	ssyncadd.s32 $0xFFFFFFFF  }
0xab: {  	s5 =	sld [smem:$0x0]  }
0xac: {  	s6 =	sand.u32 $0xFFFFFFFE, s1  }
0xad: {  	p0 =	sne.s32 s1, s6  }
0xae: {  	s6 =	sshll.u32 @p0 s6, $0xE  }
0xaf: {  	s6 =	sadd.s32 @p0 $0x11B8D, s6;
	s7 =	sshll.u32 @p0 s5, $0x11  }
0xb0: {  	s6 =	sor.u32 @p0 s7, s6  }
0xb1: {  	[sflag:s6] =	ssyncadd.remote.s32 @p0 $0x1;
	_ =	sdelay $0x1  }
0xb2: {  	s6 =	simm.s32 @p0 $0x1B8D  }
0xb3: {  	_ =	swait.eq @p0 [sflag:s6], $0x1  }
0xb4: {  	[sflag:s6] =	ssyncadd.s32 @p0 $0xFFFFFFFF  }
0xb5: {  	s7 =	sshll.u32 @!p0 s1, $0xE  }
0xb6: {  	s7 =	sor.u32 @!p0 $0x4000, s7;
	s6 =	simm.s32 @!p0 $0x1B8D  }
0xb7: {  	s5 =	sshll.u32 @!p0 s5, $0x11;
	s7 =	sadd.s32 @!p0 $0x11B8D, s7;
	_ =	swait.eq @!p0 [sflag:s6], $0x1  }
0xb8: {  	s5 =	sor.u32 @!p0 s5, s7;
	[sflag:s6] =	ssyncadd.s32 @!p0 $0xFFFFFFFF  }
0xb9: {  	s25 =	simm.s32 $0x1B8E;
	s24 =	sld [smem:$0x3FFE];
	[sflag:s5] =	ssyncadd.remote.s32 @!p0 $0x1  }
0xba: {  	s26 =	simm.s32 $execute0_lowered;
	[smem:$0x3FD2] =	sst s25  }
0xbb: {  	s6 =	sshll.u32 s26, $0x1;
	_ =	strace $0x8000004F;
	[dreg:$0x1] =	wrdreg $0xFFFFFFFF  }
0xbc: {  	s28 =	simm.s32 $_size_execute0_lowered;
	s4 =	sadd.s32 s4, s6;
	[dreg:$0x0] =	wrdreg $0x0  }
0xbd: {  	s6 =	sshll.u32 s28, $0x1;
	[dreg:$0x2] =	wrdreg s4  }
0xbe: {  	[dreg:$0x3] =	wrdreg s6  }
0xbf: {  	[dreg:$0x4] =	wrdreg $0xC0  }
0xc0: {  	_ =	task [dreg:s22], $0x5FFFF  }
0xc1: {  	[dreg:$0x1] =	wrdreg $0xFFFFFFFF  }
0xc2: {  	[dreg:$0x0] =	wrdreg $0x60  }
0xc3: {  	[dreg:$0x2] =	wrdreg s24  }
0xc4: {  	[dreg:$0x3] =	wrdreg s17  }
0xc5: {  	[dreg:$0x4] =	wrdreg $0x81000  }
0xc6: {  	[dreg:$0x5] =	wrdreg $0xA  }
0xc7: {  	_ =	task.clear_ibuf [dreg:s22], $0x6FFFF;
	_ =	strace $0x9000004F  }
0xc8: {  	s29 =	simm.s32 $0xA;
	_ =	strace $0x80000051  }
0xc9: {  	_ =	swait.ge [sflag:s29], $0x1  }
0xca: {  	[sflag:s29] =	ssyncadd.s32 $0xFFFFFFFF  }
0xcb: {  	_ =	strace $0x90000051  }
0xcc: {  	_ =	sfence  }
0xcd: {  	s30 =	sld [smem:$0x0];
	_ =	sdelay $0x2  }
0xce: {  	s31 =	sshll.u32 s1, $0xD;
	s1 =	sshrl.u32 s1, $0x2  }
0xcf: {  	s4 =	sand.u32 $0x4000, s31;
	s1 =	sadd.s32 s1, s30  }
0xd0: {  	s0 =	sor.u32 s4, s0;
	s1 =	sshll.u32 s1, $0x11  }
0xd1: {  	s0 =	sor.u32 s1, s0  }
0xd2: {  	s0 =	sadd.s32 $0x8F2B, s0  }
0xd3: {  	[sflag:s0] =	ssyncadd.remote.s32 $0x1  }
0xd4: {  	_ =	sfence.sel $0xFFFF  }
0xd5: {  	[dreg:$0x0] =	wrdreg $0xFFFFFFFF;
	(pc) =	sbr.abs _section_cstart, $3  }
0xd6: {  	[dreg:$0x1] =	wrdreg $0xFFFFFFFF  }
0xd7: {  	_ =	task.clear_ibuf [dreg:s22], $0x2FFFF;
	_ =	strace $0x9FFFFFFF  }
0xd8: {  	(tm) =	ssettm $0x7FFFFFFF  }
0xd9: {  	_ =	shalt  }
tec
execute0_lowered:
.L_overlay_start_1:
0x0: {  	(tag) =	ssettag $0x1  }
0x1: {  	s0 =	srdreg.scid  }
0x2: {  	s3 =	rddreg [dreg:$0x0];
	s5 =	sand.u32 $0x1, s0  }
0x3: {  	s4 =	rddreg [dreg:$0x1];
	s8 =	sshll.u32 s5, $0x8;
	s5 =	ssub.s32 $0x2, s5  }
0x4: {  	s6 =	stileid.u32;
	s2 =	rddreg [dreg:$0x2];
	s9 =	sshrl.u32 s5, $0x1  }
0x5: {  	s1 =	simm.s32 $0x0;
	s11 =	simm.s32 $0x80;
	s9 =	ssub.s32 s5, s9  }
0x6: {  	s12 =	simm.s32 $0x1;
	p1 =	por $0x0, $0x0;
	s31 =	smax.u32 s9, $0x1  }
0x7: {  	s7 =	sshll.u32 s6, $0x9;
	s0 =	rddreg [dreg:$0x3];
	s16 =	sadd.s32 $0xFFFFFFFF, s31  }
0x8: {  	[smem:$0x7FF] =	sst s1;
	s10 =	sadd.s32 $0x2A00, s3;
	p2 =	sne.s32 s16, $0x0  }
.Ltmp0:
0x9: {  	p0 =	sne.s32 s6, $0x0;
	s6 =	simm.s32 $0x4100;
	(pc) =	sbr.rel @!p2 .LBB2_3-.Ltmp0, $4  }
0xa: {  	_ =	strace $0x80000050;
	s13 =	sshrl.u32 @!p0 s2, $0x3;
	s7 =	sor.u32 s8, s7  }
0xb: {  	s8 =	sshrl.u32 s7, $0x3;
	s30 =	sshll.u32 s7, $0x4;
	s7 =	simm.s32 $0x2  }
0xc: {  	s8 =	sadd.s32 s8, s3;
	s5 =	sadd.s32 s4, s30;
	s4 =	simm.s32 $0x3  }
0xd: {  	s9 =	simm.s32 $0x100;
	s8 =	sadd.s32 $0x6B200, s8;
	s3 =	sadd.s32 $0x800, s5  }
0xe: {  	s14 =	simm.s32 @!p0 $0x1C03;
	s15 =	simm.s32 @!p0 $0x3  }
0xf: {  	[spmem:s13], [sflag:s14] =	dma.local @!p0 [hbm:s10], $0x8000  }
0x10: {  	_ =	swait.ge @!p0 [sflag:s15], $0x8000  }
0x11: {  	[sflag:s15] =	ssyncset.done @!p0 $0x0  }
0x12: {  	[sflag:s15] =	ssyncadd.s32 @!p0 $0xFFFF8000  }
0x13: {  	[bflag:$0x0] =	sbarrier.arrive $0xFFFF  }
0x14: {  	[tilespmem:s1], [sflag:$0x3] =	stream.linear.gather [hbm4b:s8+s1], $0x100, $0x38;
	[tilespmem:$0xC100] =	vst v63  }
0x15: {  	_ =	swait.ge [sflag:s4], $0x100  }
0x16: {  	[sflag:s4] =	ssyncset.done $0x0  }
0x17: {  	[sflag:s4] =	ssyncadd.s32 $0xFFFFFF00  }
0x18: {  	[tilespmem:s9], [sflag:$0x1] =	stream.indirect.gather [spmem:s2], $0x80, s1, s11, $0xb8;
	[tilespmem:$0xC100] =	vst v63  }
0x19: {  	_ = 	snop  }
0x1a: {  	[tilespmem:s6], [sflag:$0x2] =	stream.indirect.gather [spmem:s2], $0x80, s11, s11, $0xb8;
	[tilespmem:$0xC100] =	vst v63  }
0x1b: {  	_ =	swait.ge [sflag:s12], $0x4000  }
0x1c: {  	[sflag:s12] =	ssyncset.done $0x0  }
0x1d: {  	[sflag:s12] =	ssyncadd.s32 $0xFFFFC000  }
0x1e: {  	[hbm4b:s5+s1] =	stream.linear.scatter [tilespmem:s9], [sflag:$0x3], $0x4000, $0x38;
	[tilespmem:$0xC100] =	vst v63  }
0x1f: {  	_ =	swait.ge [sflag:s4], $0x4000  }
0x20: {  	[sflag:s4] =	ssyncset.done $0x0  }
0x21: {  	s16 =	sadd.s32 $0xFFFFFFFF, s16;
	[sflag:s4] =	ssyncadd.s32 $0xFFFFC000  }
0x22: {  	p2 =	sne.s32 s16, $0x0;
	_ =	swait.ge [sflag:s7], $0x4000  }
.Ltmp1:
0x23: {  	[sflag:s7] =	ssyncset.done $0x0;
	(pc) =	sbr.rel @!p2 .LBB2_3-.Ltmp1, $4  }
0x24: {  	[sflag:s7] =	ssyncadd.s32 $0xFFFFC000  }
0x25: {  	[hbm4b:s3+s1] =	stream.linear.scatter [tilespmem:s6], [sflag:$0x3], $0x4000, $0x38;
	[tilespmem:$0xC100] =	vst v63  }
0x26: {  	_ =	swait.ge [sflag:s4], $0x4000  }
0x27: {  	p1 =	por $0x1, $0x1;
	[sflag:s4] =	ssyncset.done $0x0  }
.LBB2_2:
0x28: {  	[sflag:s4] =	ssyncadd.s32 $0xFFFFC000  }
0x29: {  	[spmem:s13], [sflag:s14] =	dma.local @!p0 [hbm:s10], $0x8000  }
0x2a: {  	s16 =	sadd.s32 $0xFFFFFFFF, s16;
	_ =	swait.ge @!p0 [sflag:s15], $0x8000  }
0x2b: {  	p2 =	sne.s32 s16, $0x0;
	[sflag:s15] =	ssyncset.done @!p0 $0x0  }
0x2c: {  	[sflag:s15] =	ssyncadd.s32 @!p0 $0xFFFF8000  }
0x2d: {  	[bflag:$0x0] =	sbarrier.arrive $0xFFFF  }
0x2e: {  	[tilespmem:s1], [sflag:$0x3] =	stream.linear.gather [hbm4b:s8+s1], $0x100, $0x38;
	[tilespmem:$0xC100] =	vst v63  }
0x2f: {  	_ =	swait.ge [sflag:s4], $0x100  }
0x30: {  	[sflag:s4] =	ssyncset.done $0x0  }
0x31: {  	[sflag:s4] =	ssyncadd.s32 $0xFFFFFF00  }
0x32: {  	[tilespmem:s9], [sflag:$0x1] =	stream.indirect.gather [spmem:s2], $0x80, s1, s11, $0xb8;
	[tilespmem:$0xC100] =	vst v63  }
0x33: {  	_ = 	snop  }
0x34: {  	[tilespmem:s6], [sflag:$0x2] =	stream.indirect.gather [spmem:s2], $0x80, s11, s11, $0xb8;
	[tilespmem:$0xC100] =	vst v63  }
0x35: {  	_ =	swait.ge [sflag:s12], $0x4000  }
0x36: {  	[sflag:s12] =	ssyncset.done $0x0  }
0x37: {  	[sflag:s12] =	ssyncadd.s32 $0xFFFFC000  }
0x38: {  	[hbm4b:s5+s1] =	stream.linear.scatter [tilespmem:s9], [sflag:$0x3], $0x4000, $0x38;
	[tilespmem:$0xC100] =	vst v63  }
0x39: {  	_ =	swait.ge [sflag:s4], $0x4000  }
0x3a: {  	[sflag:s4] =	ssyncset.done $0x0  }
0x3b: {  	[sflag:s4] =	ssyncadd.s32 $0xFFFFC000  }
0x3c: {  	_ =	swait.ge [sflag:s7], $0x4000  }
.Ltmp2:
0x3d: {  	[sflag:s7] =	ssyncset.done $0x0;
	(pc) =	sbr.rel @p2 .LBB2_2-.Ltmp2, $4  }
0x3e: {  	[sflag:s7] =	ssyncadd.s32 $0xFFFFC000  }
0x3f: {  	[hbm4b:s3+s1] =	stream.linear.scatter [tilespmem:s6], [sflag:$0x3], $0x4000, $0x38;
	[tilespmem:$0xC100] =	vst v63  }
0x40: {  	_ =	swait.ge [sflag:s4], $0x4000  }
0x41: {  	[sflag:s4] =	ssyncset.done $0x0  }
.LBB2_3:
0x42: {  	s14 =	simm.s32 @!p0 $0x1C03;
	s15 =	simm.s32 @!p0 $0x3;
	[sflag:s4] =	ssyncadd.s32 @p1 $0xFFFFC000  }
0x43: {  	[spmem:s13], [sflag:s14] =	dma.local @!p0 [hbm:s10], $0x8000  }
0x44: {  	_ =	swait.ge @!p0 [sflag:s15], $0x8000  }
0x45: {  	[sflag:s15] =	ssyncset.done @!p0 $0x0  }
0x46: {  	[sflag:s15] =	ssyncadd.s32 @!p0 $0xFFFF8000  }
0x47: {  	[bflag:$0x0] =	sbarrier.arrive $0xFFFF  }
0x48: {  	[tilespmem:s1], [sflag:$0x3] =	stream.linear.gather [hbm4b:s8+s1], $0x100, $0x38;
	[tilespmem:$0xC100] =	vst v63  }
0x49: {  	_ =	swait.ge [sflag:s4], $0x100  }
0x4a: {  	[sflag:s4] =	ssyncset.done $0x0  }
0x4b: {  	[sflag:s4] =	ssyncadd.s32 $0xFFFFFF00  }
0x4c: {  	[tilespmem:s9], [sflag:$0x1] =	stream.indirect.gather [spmem:s2], $0x80, s1, s11, $0xb8;
	[tilespmem:$0xC100] =	vst v63  }
0x4d: {  	_ = 	snop  }
0x4e: {  	[tilespmem:s6], [sflag:$0x2] =	stream.indirect.gather [spmem:s2], $0x80, s11, s11, $0xb8;
	[tilespmem:$0xC100] =	vst v63  }
0x4f: {  	_ =	swait.ge [sflag:s12], $0x4000  }
0x50: {  	[sflag:s12] =	ssyncset.done $0x0  }
0x51: {  	[sflag:s12] =	ssyncadd.s32 $0xFFFFC000  }
0x52: {  	[hbm4b:s5+s1] =	stream.linear.scatter [tilespmem:s9], [sflag:$0x3], $0x4000, $0x38;
	[tilespmem:$0xC100] =	vst v63  }
0x53: {  	_ =	swait.ge [sflag:s4], $0x4000  }
0x54: {  	[sflag:s4] =	ssyncset.done $0x0  }
0x55: {  	[sflag:s4] =	ssyncadd.s32 $0xFFFFC000  }
0x56: {  	_ =	swait.ge [sflag:s7], $0x4000  }
0x57: {  	[sflag:s7] =	ssyncset.done $0x0  }
0x58: {  	[sflag:s7] =	ssyncadd.s32 $0xFFFFC000  }
0x59: {  	[hbm4b:s3+s1] =	stream.linear.scatter [tilespmem:s6], [sflag:$0x3], $0x4000, $0x38;
	[tilespmem:$0xC100] =	vst v63  }
0x5a: {  	_ =	swait.ge [sflag:s4], $0x4000  }
0x5b: {  	[sflag:s4] =	ssyncset.done $0x0  }
0x5c: {  	[sflag:s4] =	ssyncadd.s32 $0xFFFFC000  }
0x5d: {  	_ =	sfence.sel $0x180000  }
0x5e: {  	[bflag:$0x0] =	sbarrier.arrive $0xFFFF  }
0x5f: {  	_ =	strace $0x90000050  }
0x60: {  	s0 =	sadd.s32 @!p0 $0x100000, s0;
	[bflag:$0x2] =	sbarrier.arrive $0xFFFF  }
0x61: {  	[sflag:s0] =	ssyncadd.tile.s32 @!p0 $0x1;
	_ =	shalt  }
.Lfunc_end2:
_tile_overlayer_lowered:
.L_overlay_start_2:
0x62: {  	(tag) =	ssettag $0x2  }
0x63: {  	s0 =	rddreg [dreg:$0x0];
	s2 =	stileid.u32  }
0x64: {  	s1 =	rddreg [dreg:$0x1];
	p0 =	sne.s32 s2, $0x0  }
0x65: {  	s3 =	rddreg [dreg:$0x2];
	[bflag:$0x3] =	sbarrier.arrive $0xFFFF;
	s2 =	simm.s32 @!p0 $0x1C03  }
0x66: {  	[timem:s3], [sflag:s2] =	dma.local @!p0 [hbm:s0], s1  }
0x67: {  	s0 =	simm.s32 @!p0 $0x3  }
0x68: {  	_ =	swait.ge @!p0 [sflag:s0], s1  }
0x69: {  	s1 =	ssub.s32 @!p0 $0x0, s1;
	[sflag:s0] =	ssyncset.done @!p0 $0x0  }
0x6a: {  	[sflag:s0] =	ssyncadd.s32 @!p0 s1  }
0x6b: {  	[bflag:$0x3] =	sbarrier.arrive $0xFFFF  }
0x6c: {  	_ =	shalt  }

// kernel: kernel.16.cloned.1.call-start
scs
__scs_entry_jumppad:
0x0: {  	(pc) =	sbr.rel $0x88, $3  }
0x1: {  	(tag) =	ssettag $0x0;
	lr =	simm.s32 $0x1  }
0x2: {  	[smem:$0x3F9F] =	sst lr;
	_ =	strace $0xD0000000  }
0x3: {  	_ = 	snop  }
0x4: {  	_ = 	snop  }
0x5: {  	_ = 	snop  }
0x6: {  	_ = 	snop  }
0x7: {  	_ = 	snop  }
__scs_overlays_trampoline_lowered:
0x8: {  	[smem:$0x3FAE] =	sst s0  }
0x9: {  	[smem:$0x3FAF] =	sst s1  }
0xa: {  	[smem:$0x3FB0] =	sst s2  }
0xb: {  	[smem:$0x3FB1] =	sst s3  }
0xc: {  	[smem:$0x3FB2] =	sst s4  }
0xd: {  	[smem:$0x3FB3] =	sst s5  }
0xe: {  	[smem:$0x3FB4] =	sst s6  }
0xf: {  	[smem:$0x3FB5] =	sst s7  }
0x10: {  	[smem:$0x3FB6] =	sst s8  }
0x11: {  	[smem:$0x3FB7] =	sst s9;
	s0 =	simm.s32 @!p0 $0x0  }
0x12: {  	s1 =	sld [smem:$0x3F9D];
	s0 =	simm.s32 @p0 $0x1  }
0x13: {  	[smem:$0x3FB8] =	sst s0;
	s0 =	simm.s32 @!p1 $0x0  }
0x14: {  	s2 =	sld [smem:$0x3F9C];
	s0 =	simm.s32 @p1 $0x1  }
0x15: {  	[smem:$0x3FB9] =	sst s0;
	s0 =	simm.s32 @!p2 $0x0  }
0x16: {  	s3 =	sld [smem:$0x3FDB];
	s0 =	simm.s32 @p2 $0x1  }
0x17: {  	s4 =	simm.s32 $0x1BF5;
	[smem:$0x3FBB] =	sst s0  }
0x18: {  	s0 =	sld [smem:$0x3F9E];
	_ =	swait.ge [sflag:s4], $0x0  }
0x19: {  	s7 =	sld [smem:$0x3F9F]  }
0x1a: {  	s8 =	sadd.s32 $0xFFFFE003, lr  }
0x1b: {  	s9 =	sadd.s32 $0xFFFFFEF7, lr;
	s5 =	simm.s32 $0xFFFFFFFF;
	p2 =	slt.u32 s8, $0xFFFFF086  }
0x1c: {  	p1 =	slt.u32 s9, $0xF7A;
	s5 =	simm.s32 @!p2 $0x0  }
0x1d: {  	s5 =	simm.s32 @p1 $0x1;
	p0 =	seq.s32 s7, s2  }
0x1e: {  	s7 =	smul.u32 @!p0 $0xF7A, s2;
	p2 =	seq.s32 @!p0 s5, $0x0  }
0x1f: {  	s9 =	smul.u32 $0xF7A, s1;
	s8 =	simm.s32 @!p0 $0x1BF5;
	p2 =	por !p2, p0  }
0x20: {  	[sflag:s8] =	ssyncset.s32 @!p0 $0xFFFFF086;
	s6 =	sadd.s32 @!p0 s3, s7;
	s7 =	simm.s32 @!p0 $0x108  }
0x21: {  	s3 =	sadd.s32 s3, s9;
	s6 =	sadd.s32 @!p0 $0x88, s6;
	s7 =	simm.s32 @p2 $0x1082  }
0x22: {  	[simem:s7], [sflag:s8] =	dma.local @!p0 [hbm:s6], $0xF7A  }
0x23: {  	s9 =	sor.u32 $0xD0000000, s2;
	s6 =	simm.s32 $0x108;
	_ =	swait.ge @!p0 [sflag:s8], $0x0  }
0x24: {  	s3 =	sadd.s32 $0x88, s3;
	s6 =	simm.s32 @!p1 $0x1082;
	[sflag:s4] =	ssyncset.s32 $0xFFFFF086  }
0x25: {  	[simem:s6], [sflag:s4] =	dma.local [hbm:s3], $0xF7A  }
0x26: {  	[smem:$0x3F9F] =	sst s1;
	(tag) =	ssettag s2;
	_ =	strace s9  }
0x27: {  	s1 =	sld [smem:$0x3FAF]  }
0x28: {  	s2 =	sld [smem:$0x3FB0]  }
0x29: {  	s4 =	sld [smem:$0x3FB2]  }
0x2a: {  	p0 =	seq.s32 s5, $0x0;
	s5 =	sld [smem:$0x3FB3]  }
0x2b: {  	s6 =	sld [smem:$0x3FB4]  }
0x2c: {  	s7 =	sld [smem:$0x3FB5]  }
0x2d: {  	s3 =	simm.s32 $0x108;
	s8 =	sld [smem:$0x3FB6]  }
0x2e: {  	s3 =	simm.s32 @!p0 $0x1082;
	s9 =	sld [smem:$0x3FB7]  }
0x2f: {  	lr =	sadd.s32 s0, s3;
	s0 =	sld [smem:$0x3FAE]  }
0x30: {  	s3 =	sld [smem:$0x3FB1]  }
0x31: {  	[smem:$0x3FBA] =	sst s10  }
0x32: {  	s10 =	sld [smem:$0x3FB8];
	_ =	sdelay $0x3  }
0x33: {  	p0 =	seq.s32 s10, $0x1;
	s10 =	sld [smem:$0x3FBA];
	_ =	sdelay $0x3  }
0x34: {  	[smem:$0x3FBA] =	sst s10  }
0x35: {  	s10 =	sld [smem:$0x3FB9];
	_ =	sdelay $0x3  }
0x36: {  	p1 =	seq.s32 s10, $0x1;
	s10 =	sld [smem:$0x3FBA];
	_ =	sdelay $0x3  }
0x37: {  	[smem:$0x3FBA] =	sst s10  }
0x38: {  	s10 =	sld [smem:$0x3FBB]  }
0x39: {  	_ = 	snop;
	(pc) =	sbr.ind lr, $3  }
0x3a: {  	_ = 	snop  }
0x3b: {  	_ = 	snop  }
0x3c: {  	p2 =	seq.s32 s10, $0x1;
	s10 =	sld [smem:$0x3FBA]  }
0x3d: {  	_ =	shalt  }
0x3e: {  	_ =	shalt  }
0x3f: {  	_ =	shalt  }
0x40: {  	_ =	shalt  }
0x41: {  	_ =	shalt  }
0x42: {  	_ =	shalt  }
0x43: {  	_ =	shalt  }
0x44: {  	_ =	shalt  }
0x45: {  	_ =	shalt  }
0x46: {  	_ =	shalt  }
0x47: {  	_ =	shalt  }
0x48: {  	_ =	shalt  }
0x49: {  	_ =	shalt  }
0x4a: {  	_ =	shalt  }
0x4b: {  	_ =	shalt  }
0x4c: {  	_ =	shalt  }
0x4d: {  	_ =	shalt  }
0x4e: {  	_ =	shalt  }
0x4f: {  	_ =	shalt  }
0x50: {  	_ =	shalt  }
0x51: {  	_ =	shalt  }
0x52: {  	_ =	shalt  }
0x53: {  	_ =	shalt  }
0x54: {  	_ =	shalt  }
0x55: {  	_ =	shalt  }
0x56: {  	_ =	shalt  }
0x57: {  	_ =	shalt  }
0x58: {  	_ =	shalt  }
0x59: {  	_ =	shalt  }
0x5a: {  	_ =	shalt  }
0x5b: {  	_ =	shalt  }
0x5c: {  	_ =	shalt  }
0x5d: {  	_ =	shalt  }
0x5e: {  	_ =	shalt  }
0x5f: {  	_ =	shalt  }
0x60: {  	_ =	shalt  }
0x61: {  	_ =	shalt  }
0x62: {  	_ =	shalt  }
0x63: {  	_ =	shalt  }
0x64: {  	_ =	shalt  }
0x65: {  	_ =	shalt  }
0x66: {  	_ =	shalt  }
0x67: {  	_ =	shalt  }
0x68: {  	_ =	shalt  }
0x69: {  	_ =	shalt  }
0x6a: {  	_ =	shalt  }
0x6b: {  	_ =	shalt  }
0x6c: {  	_ =	shalt  }
0x6d: {  	_ =	shalt  }
0x6e: {  	_ =	shalt  }
0x6f: {  	_ =	shalt  }
0x70: {  	_ =	shalt  }
0x71: {  	_ =	shalt  }
0x72: {  	_ =	shalt  }
0x73: {  	_ =	shalt  }
0x74: {  	_ =	shalt  }
0x75: {  	_ =	shalt  }
0x76: {  	_ =	shalt  }
0x77: {  	_ =	shalt  }
0x78: {  	_ =	shalt  }
0x79: {  	_ =	shalt  }
0x7a: {  	_ =	shalt  }
0x7b: {  	_ =	shalt  }
0x7c: {  	_ =	shalt  }
0x7d: {  	_ =	shalt  }
0x7e: {  	_ =	shalt  }
0x7f: {  	_ =	shalt  }
0x80: {  	_ =	shalt  }
0x81: {  	_ =	shalt  }
0x82: {  	_ =	shalt  }
0x83: {  	_ =	shalt  }
0x84: {  	_ =	shalt  }
0x85: {  	_ =	shalt  }
0x86: {  	_ =	shalt  }
0x87: {  	_ =	shalt  }
.Lfunc_end0:
.L_simem_size_0:
called_computation.2_lowered:
.L_overlay_start_0:
0x88: {  	s2 =	sld [smem:$0x3FD9]  }
0x89: {  	s3 =	sld [smem:$0x3FFE];
	_ =	sdelay $0x1  }
0x8a: {  	s1 =	srdreg.scid  }
0x8b: {  	s0 =	sand.u32 $0x1, s1  }
0x8c: {  	s17 =	sshll.u32 s0, $0xA;
	s2 =	sadd.s32 s3, s2  }
0x8d: {  	s2 =	sadd.s32 s2, s17  }
0x8e: {  	[smem:$0x3FC6] =	sst s2  }
0x8f: {  	_ = 	snop  }
0x90: {  	(tm) =	ssettm $0x1  }
0x91: {  	s18 =	sld [smem:$0x3FFB];
	_ =	sdelay $0x3  }
0x92: {  	_ =	strace s18  }
0x93: {  	s2 =	sld [smem:$0x3FFC];
	_ =	sdelay $0x3  }
0x94: {  	_ =	strace s2  }
0x95: {  	s2 =	sld [smem:$0x3FFD];
	_ =	sdelay $0x3  }
0x96: {  	_ =	strace s2  }
0x97: {  	_ =	strace $0x8FFFFFFF  }
0x98: {  	s19 =	sld [smem:$0x3FDB];
	_ =	sdelay $0x1  }
0x99: {  	s20 =	simm.s32 $_scs_section_size  }
0x9a: {  	s4 =	simm.s32 $_size__tile_overlayer_lowered;
	s5 =	simm.s32 $_tile_overlayer_lowered  }
0x9b: {  	s6 =	simm.s32 $0x1BFF;
	s21 =	sshll.u32 s5, $0x1;
	s3 =	sadd.s32 s20, s19  }
0x9c: {  	s22 =	simm.s32 $0x0;
	s4 =	sshll.u32 s4, $0x1;
	s5 =	sadd.s32 s21, s3  }
0x9d: {  	[timem:s22], [sflag:s6] =	dma.local [hbm:s5], s4  }
0x9e: {  	_ =	swait.ge [sflag:s6], s4  }
0x9f: {  	s4 =	ssub.s32 $0x0, s4;
	[sflag:s6] =	ssyncset.done $0x0  }
0xa0: {  	[sflag:s6] =	ssyncadd.s32 s4;
	_ =	sdelay $0x1  }
0xa1: {  	s23 =	simm.s32 $0x1B8B  }
0xa2: {  	_ =	swait.ge [sflag:s23], $0x1  }
0xa3: {  	[sflag:s23] =	ssyncset.done $0x0  }
0xa4: {  	[sflag:s23] =	ssyncadd.s32 $0xFFFFFFFF  }
0xa5: {  	s4 =	sld [smem:$0x0]  }
0xa6: {  	s5 =	sand.u32 $0xFFFFFFFE, s1  }
0xa7: {  	p0 =	sne.s32 s1, s5  }
0xa8: {  	s5 =	sshll.u32 @p0 s5, $0xE  }
0xa9: {  	s5 =	sadd.s32 @p0 $0x11B8D, s5;
	s6 =	sshll.u32 @p0 s4, $0x11  }
0xaa: {  	s5 =	sor.u32 @p0 s6, s5  }
0xab: {  	[sflag:s5] =	ssyncadd.remote.s32 @p0 $0x1;
	_ =	sdelay $0x1  }
0xac: {  	s5 =	simm.s32 @p0 $0x1B8D  }
0xad: {  	_ =	swait.eq @p0 [sflag:s5], $0x1  }
0xae: {  	[sflag:s5] =	ssyncadd.s32 @p0 $0xFFFFFFFF  }
0xaf: {  	s6 =	sshll.u32 @!p0 s1, $0xE  }
0xb0: {  	s6 =	sor.u32 @!p0 $0x4000, s6;
	s5 =	simm.s32 @!p0 $0x1B8D  }
0xb1: {  	s4 =	sshll.u32 @!p0 s4, $0x11;
	s6 =	sadd.s32 @!p0 $0x11B8D, s6;
	_ =	swait.eq @!p0 [sflag:s5], $0x1  }
0xb2: {  	s4 =	sor.u32 @!p0 s4, s6;
	[sflag:s5] =	ssyncadd.s32 @!p0 $0xFFFFFFFF  }
0xb3: {  	s25 =	simm.s32 $0x1B8E;
	s24 =	sld [smem:$0x3FFE];
	[sflag:s4] =	ssyncadd.remote.s32 @!p0 $0x1  }
0xb4: {  	s26 =	simm.s32 $execute0_lowered;
	[smem:$0x3FD2] =	sst s25  }
0xb5: {  	s5 =	sshll.u32 s26, $0x1;
	_ =	strace $0x8000004C;
	[dreg:$0x1] =	wrdreg $0xFFFFFFFF  }
0xb6: {  	s28 =	simm.s32 $_size_execute0_lowered;
	s3 =	sadd.s32 s3, s5;
	[dreg:$0x0] =	wrdreg $0x0  }
0xb7: {  	s5 =	sshll.u32 s28, $0x1;
	[dreg:$0x2] =	wrdreg s3  }
0xb8: {  	[dreg:$0x3] =	wrdreg s5  }
0xb9: {  	[dreg:$0x4] =	wrdreg $0xC0  }
0xba: {  	_ =	task [dreg:s22], $0x5FFFF  }
0xbb: {  	[dreg:$0x1] =	wrdreg $0xFFFFFFFF  }
0xbc: {  	[dreg:$0x0] =	wrdreg $0x60  }
0xbd: {  	[dreg:$0x2] =	wrdreg s24  }
0xbe: {  	[dreg:$0x3] =	wrdreg $0x81000  }
0xbf: {  	[dreg:$0x4] =	wrdreg $0xB  }
0xc0: {  	_ =	task.clear_ibuf [dreg:s22], $0x5FFFF;
	_ =	strace $0x9000004C  }
0xc1: {  	s29 =	simm.s32 $0xB;
	_ =	strace $0x8000004E  }
0xc2: {  	_ =	swait.ge [sflag:s29], $0x1  }
0xc3: {  	[sflag:s29] =	ssyncadd.s32 $0xFFFFFFFF  }
0xc4: {  	_ =	strace $0x9000004E  }
0xc5: {  	_ =	sfence  }
0xc6: {  	s30 =	sld [smem:$0x0];
	_ =	sdelay $0x2  }
0xc7: {  	s31 =	sshll.u32 s1, $0xD;
	s1 =	sshrl.u32 s1, $0x2  }
0xc8: {  	s4 =	sand.u32 $0x4000, s31;
	s1 =	sadd.s32 s1, s30  }
0xc9: {  	s0 =	sor.u32 s4, s0;
	s1 =	sshll.u32 s1, $0x11  }
0xca: {  	s0 =	sor.u32 s1, s0  }
0xcb: {  	s0 =	sadd.s32 $0x8F2B, s0  }
0xcc: {  	[sflag:s0] =	ssyncadd.remote.s32 $0x1  }
0xcd: {  	_ =	sfence.sel $0xFFFF  }
0xce: {  	[dreg:$0x0] =	wrdreg $0xFFFFFFFF;
	(pc) =	sbr.abs _section_cstart, $3  }
0xcf: {  	[dreg:$0x1] =	wrdreg $0xFFFFFFFF  }
0xd0: {  	_ =	task.clear_ibuf [dreg:s22], $0x2FFFF;
	_ =	strace $0x9FFFFFFF  }
0xd1: {  	(tm) =	ssettm $0x7FFFFFFF  }
tec
execute0_lowered:
.L_overlay_start_1:
0x0: {  	(tag) =	ssettag $0x1  }
0x1: {  	s1 =	srdreg.scid  }
0x2: {  	s3 =	rddreg [dreg:$0x0];
	s4 =	stileid.u32;
	s5 =	sand.u32 $0x1, s1  }
0x3: {  	s6 =	sshll.u32 s4, $0x9;
	s7 =	sshll.u32 s5, $0x8;
	s5 =	ssub.s32 $0x2, s5  }
0x4: {  	s10 =	sadd.s32 $0x2A00, s3;
	s6 =	sor.u32 s7, s6;
	s8 =	sshrl.u32 s5, $0x1  }
0x5: {  	s7 =	sshrl.u32 s6, $0x3;
	s6 =	sshll.u32 s6, $0x4;
	s31 =	ssub.s32 s5, s8  }
0x6: {  	s7 =	sadd.s32 s7, s3;
	s3 =	sadd.s32 s6, s3;
	s6 =	smax.u32 s31, $0x1  }
0x7: {  	s2 =	rddreg [dreg:$0x1];
	s16 =	sadd.s32 $0xFFFFFFFF, s6  }
0x8: {  	s0 =	rddreg [dreg:$0x2];
	s11 =	simm.s32 $0x80;
	p2 =	sne.s32 s16, $0x0  }
.Ltmp0:
0x9: {  	s9 =	simm.s32 $0x100;
	s12 =	simm.s32 $0x1;
	(pc) =	sbr.rel @!p2 .LBB2_3-.Ltmp0, $4  }
0xa: {  	p1 =	por $0x0, $0x0;
	s1 =	simm.s32 $0x0;
	p0 =	sne.s32 s4, $0x0  }
0xb: {  	s4 =	simm.s32 $0x3;
	[smem:$0x7FF] =	sst s1;
	s13 =	sshrl.u32 @!p0 s2, $0x3  }
0xc: {  	_ =	strace $0x8000004D;
	s8 =	sadd.s32 $0x4AE00, s7;
	s5 =	sadd.s32 $0x4B200, s3  }
0xd: {  	s3 =	sadd.s32 $0x4BA00, s3;
	s6 =	simm.s32 $0x4100;
	s7 =	simm.s32 $0x2  }
0xe: {  	s14 =	simm.s32 @!p0 $0x1C03;
	s15 =	simm.s32 @!p0 $0x3  }
0xf: {  	[spmem:s13], [sflag:s14] =	dma.local @!p0 [hbm:s10], $0x8000  }
0x10: {  	_ =	swait.ge @!p0 [sflag:s15], $0x8000  }
0x11: {  	[sflag:s15] =	ssyncset.done @!p0 $0x0  }
0x12: {  	[sflag:s15] =	ssyncadd.s32 @!p0 $0xFFFF8000  }
0x13: {  	[bflag:$0x0] =	sbarrier.arrive $0xFFFF  }
0x14: {  	[tilespmem:s1], [sflag:$0x3] =	stream.linear.gather [hbm4b:s8+s1], $0x100, $0x38;
	[tilespmem:$0xC100] =	vst v63  }
0x15: {  	_ =	swait.ge [sflag:s4], $0x100  }
0x16: {  	[sflag:s4] =	ssyncset.done $0x0  }
0x17: {  	[sflag:s4] =	ssyncadd.s32 $0xFFFFFF00  }
0x18: {  	[tilespmem:s9], [sflag:$0x1] =	stream.indirect.gather [spmem:s2], $0x80, s1, s11, $0xb8;
	[tilespmem:$0xC100] =	vst v63  }
0x19: {  	_ = 	snop  }
0x1a: {  	[tilespmem:s6], [sflag:$0x2] =	stream.indirect.gather [spmem:s2], $0x80, s11, s11, $0xb8;
	[tilespmem:$0xC100] =	vst v63  }
0x1b: {  	_ =	swait.ge [sflag:s12], $0x4000  }
0x1c: {  	[sflag:s12] =	ssyncset.done $0x0  }
0x1d: {  	[sflag:s12] =	ssyncadd.s32 $0xFFFFC000  }
0x1e: {  	[hbm4b:s5+s1] =	stream.linear.scatter [tilespmem:s9], [sflag:$0x3], $0x4000, $0x38;
	[tilespmem:$0xC100] =	vst v63  }
0x1f: {  	_ =	swait.ge [sflag:s4], $0x4000  }
0x20: {  	[sflag:s4] =	ssyncset.done $0x0  }
0x21: {  	s16 =	sadd.s32 $0xFFFFFFFF, s16;
	[sflag:s4] =	ssyncadd.s32 $0xFFFFC000  }
0x22: {  	p2 =	sne.s32 s16, $0x0;
	_ =	swait.ge [sflag:s7], $0x4000  }
.Ltmp1:
0x23: {  	[sflag:s7] =	ssyncset.done $0x0;
	(pc) =	sbr.rel @!p2 .LBB2_3-.Ltmp1, $4  }
0x24: {  	[sflag:s7] =	ssyncadd.s32 $0xFFFFC000  }
0x25: {  	[hbm4b:s3+s1] =	stream.linear.scatter [tilespmem:s6], [sflag:$0x3], $0x4000, $0x38;
	[tilespmem:$0xC100] =	vst v63  }
0x26: {  	_ =	swait.ge [sflag:s4], $0x4000  }
0x27: {  	p1 =	por $0x1, $0x1;
	[sflag:s4] =	ssyncset.done $0x0  }
.LBB2_2:
0x28: {  	[sflag:s4] =	ssyncadd.s32 $0xFFFFC000  }
0x29: {  	[spmem:s13], [sflag:s14] =	dma.local @!p0 [hbm:s10], $0x8000  }
0x2a: {  	s16 =	sadd.s32 $0xFFFFFFFF, s16;
	_ =	swait.ge @!p0 [sflag:s15], $0x8000  }
0x2b: {  	p2 =	sne.s32 s16, $0x0;
	[sflag:s15] =	ssyncset.done @!p0 $0x0  }
0x2c: {  	[sflag:s15] =	ssyncadd.s32 @!p0 $0xFFFF8000  }
0x2d: {  	[bflag:$0x0] =	sbarrier.arrive $0xFFFF  }
0x2e: {  	[tilespmem:s1], [sflag:$0x3] =	stream.linear.gather [hbm4b:s8+s1], $0x100, $0x38;
	[tilespmem:$0xC100] =	vst v63  }
0x2f: {  	_ =	swait.ge [sflag:s4], $0x100  }
0x30: {  	[sflag:s4] =	ssyncset.done $0x0  }
0x31: {  	[sflag:s4] =	ssyncadd.s32 $0xFFFFFF00  }
0x32: {  	[tilespmem:s9], [sflag:$0x1] =	stream.indirect.gather [spmem:s2], $0x80, s1, s11, $0xb8;
	[tilespmem:$0xC100] =	vst v63  }
0x33: {  	_ = 	snop  }
0x34: {  	[tilespmem:s6], [sflag:$0x2] =	stream.indirect.gather [spmem:s2], $0x80, s11, s11, $0xb8;
	[tilespmem:$0xC100] =	vst v63  }
0x35: {  	_ =	swait.ge [sflag:s12], $0x4000  }
0x36: {  	[sflag:s12] =	ssyncset.done $0x0  }
0x37: {  	[sflag:s12] =	ssyncadd.s32 $0xFFFFC000  }
0x38: {  	[hbm4b:s5+s1] =	stream.linear.scatter [tilespmem:s9], [sflag:$0x3], $0x4000, $0x38;
	[tilespmem:$0xC100] =	vst v63  }
0x39: {  	_ =	swait.ge [sflag:s4], $0x4000  }
0x3a: {  	[sflag:s4] =	ssyncset.done $0x0  }
0x3b: {  	[sflag:s4] =	ssyncadd.s32 $0xFFFFC000  }
0x3c: {  	_ =	swait.ge [sflag:s7], $0x4000  }
.Ltmp2:
0x3d: {  	[sflag:s7] =	ssyncset.done $0x0;
	(pc) =	sbr.rel @p2 .LBB2_2-.Ltmp2, $4  }
0x3e: {  	[sflag:s7] =	ssyncadd.s32 $0xFFFFC000  }
0x3f: {  	[hbm4b:s3+s1] =	stream.linear.scatter [tilespmem:s6], [sflag:$0x3], $0x4000, $0x38;
	[tilespmem:$0xC100] =	vst v63  }
0x40: {  	_ =	swait.ge [sflag:s4], $0x4000  }
0x41: {  	[sflag:s4] =	ssyncset.done $0x0  }
.LBB2_3:
0x42: {  	s14 =	simm.s32 @!p0 $0x1C03;
	s15 =	simm.s32 @!p0 $0x3;
	[sflag:s4] =	ssyncadd.s32 @p1 $0xFFFFC000  }
0x43: {  	[spmem:s13], [sflag:s14] =	dma.local @!p0 [hbm:s10], $0x8000  }
0x44: {  	_ =	swait.ge @!p0 [sflag:s15], $0x8000  }
0x45: {  	[sflag:s15] =	ssyncset.done @!p0 $0x0  }
0x46: {  	[sflag:s15] =	ssyncadd.s32 @!p0 $0xFFFF8000  }
0x47: {  	[bflag:$0x0] =	sbarrier.arrive $0xFFFF  }
0x48: {  	[tilespmem:s1], [sflag:$0x3] =	stream.linear.gather [hbm4b:s8+s1], $0x100, $0x38;
	[tilespmem:$0xC100] =	vst v63  }
0x49: {  	_ =	swait.ge [sflag:s4], $0x100  }
0x4a: {  	[sflag:s4] =	ssyncset.done $0x0  }
0x4b: {  	[sflag:s4] =	ssyncadd.s32 $0xFFFFFF00  }
0x4c: {  	[tilespmem:s9], [sflag:$0x1] =	stream.indirect.gather [spmem:s2], $0x80, s1, s11, $0xb8;
	[tilespmem:$0xC100] =	vst v63  }
0x4d: {  	_ = 	snop  }
0x4e: {  	[tilespmem:s6], [sflag:$0x2] =	stream.indirect.gather [spmem:s2], $0x80, s11, s11, $0xb8;
	[tilespmem:$0xC100] =	vst v63  }
0x4f: {  	_ =	swait.ge [sflag:s12], $0x4000  }
0x50: {  	[sflag:s12] =	ssyncset.done $0x0  }
0x51: {  	[sflag:s12] =	ssyncadd.s32 $0xFFFFC000  }
0x52: {  	[hbm4b:s5+s1] =	stream.linear.scatter [tilespmem:s9], [sflag:$0x3], $0x4000, $0x38;
	[tilespmem:$0xC100] =	vst v63  }
0x53: {  	_ =	swait.ge [sflag:s4], $0x4000  }
0x54: {  	[sflag:s4] =	ssyncset.done $0x0  }
0x55: {  	[sflag:s4] =	ssyncadd.s32 $0xFFFFC000  }
0x56: {  	_ =	swait.ge [sflag:s7], $0x4000  }
0x57: {  	[sflag:s7] =	ssyncset.done $0x0  }
0x58: {  	[sflag:s7] =	ssyncadd.s32 $0xFFFFC000  }
0x59: {  	[hbm4b:s3+s1] =	stream.linear.scatter [tilespmem:s6], [sflag:$0x3], $0x4000, $0x38;
	[tilespmem:$0xC100] =	vst v63  }
0x5a: {  	_ =	swait.ge [sflag:s4], $0x4000  }
0x5b: {  	[sflag:s4] =	ssyncset.done $0x0  }
0x5c: {  	[sflag:s4] =	ssyncadd.s32 $0xFFFFC000  }
0x5d: {  	_ =	sfence.sel $0x180000  }
0x5e: {  	[bflag:$0x0] =	sbarrier.arrive $0xFFFF  }
0x5f: {  	_ =	strace $0x9000004D  }
0x60: {  	s0 =	sadd.s32 @!p0 $0x100000, s0;
	[bflag:$0x2] =	sbarrier.arrive $0xFFFF  }
0x61: {  	[sflag:s0] =	ssyncadd.tile.s32 @!p0 $0x1;
	_ =	shalt  }
.Lfunc_end2:
_tile_overlayer_lowered:
.L_overlay_start_2:
0x62: {  	(tag) =	ssettag $0x2  }
0x63: {  	s0 =	rddreg [dreg:$0x0];
	s2 =	stileid.u32  }
0x64: {  	s1 =	rddreg [dreg:$0x1];
	p0 =	sne.s32 s2, $0x0  }
0x65: {  	s3 =	rddreg [dreg:$0x2];
	[bflag:$0x3] =	sbarrier.arrive $0xFFFF;
	s2 =	simm.s32 @!p0 $0x1C03  }
0x66: {  	[timem:s3], [sflag:s2] =	dma.local @!p0 [hbm:s0], s1  }
0x67: {  	s0 =	simm.s32 @!p0 $0x3  }
0x68: {  	_ =	swait.ge @!p0 [sflag:s0], s1  }
0x69: {  	s1 =	ssub.s32 @!p0 $0x0, s1;
	[sflag:s0] =	ssyncset.done @!p0 $0x0  }
0x6a: {  	[sflag:s0] =	ssyncadd.s32 @!p0 s1  }
0x6b: {  	[bflag:$0x3] =	sbarrier.arrive $0xFFFF  }
0x6c: {  	_ =	shalt  }

// kernel: kernel.19.cloned.1.call-start
scs
__scs_entry_jumppad:
0x0: {  	(pc) =	sbr.rel $0x88, $3  }
0x1: {  	(tag) =	ssettag $0x0;
	lr =	simm.s32 $0x1  }
0x2: {  	[smem:$0x3F9F] =	sst lr;
	_ =	strace $0xD0000000  }
0x3: {  	_ = 	snop  }
0x4: {  	_ = 	snop  }
0x5: {  	_ = 	snop  }
0x6: {  	_ = 	snop  }
0x7: {  	_ = 	snop  }
__scs_overlays_trampoline_lowered:
0x8: {  	[smem:$0x3FAE] =	sst s0  }
0x9: {  	[smem:$0x3FAF] =	sst s1  }
0xa: {  	[smem:$0x3FB0] =	sst s2  }
0xb: {  	[smem:$0x3FB1] =	sst s3  }
0xc: {  	[smem:$0x3FB2] =	sst s4  }
0xd: {  	[smem:$0x3FB3] =	sst s5  }
0xe: {  	[smem:$0x3FB4] =	sst s6  }
0xf: {  	[smem:$0x3FB5] =	sst s7  }
0x10: {  	[smem:$0x3FB6] =	sst s8  }
0x11: {  	[smem:$0x3FB7] =	sst s9;
	s0 =	simm.s32 @!p0 $0x0  }
0x12: {  	s1 =	sld [smem:$0x3F9D];
	s0 =	simm.s32 @p0 $0x1  }
0x13: {  	[smem:$0x3FB8] =	sst s0;
	s0 =	simm.s32 @!p1 $0x0  }
0x14: {  	s2 =	sld [smem:$0x3F9C];
	s0 =	simm.s32 @p1 $0x1  }
0x15: {  	[smem:$0x3FB9] =	sst s0;
	s0 =	simm.s32 @!p2 $0x0  }
0x16: {  	s3 =	sld [smem:$0x3FDB];
	s0 =	simm.s32 @p2 $0x1  }
0x17: {  	s4 =	simm.s32 $0x1BF5;
	[smem:$0x3FBB] =	sst s0  }
0x18: {  	s0 =	sld [smem:$0x3F9E];
	_ =	swait.ge [sflag:s4], $0x0  }
0x19: {  	s7 =	sld [smem:$0x3F9F]  }
0x1a: {  	s8 =	sadd.s32 $0xFFFFE003, lr  }
0x1b: {  	s9 =	sadd.s32 $0xFFFFFEF7, lr;
	s5 =	simm.s32 $0xFFFFFFFF;
	p2 =	slt.u32 s8, $0xFFFFF086  }
0x1c: {  	p1 =	slt.u32 s9, $0xF7A;
	s5 =	simm.s32 @!p2 $0x0  }
0x1d: {  	s5 =	simm.s32 @p1 $0x1;
	p0 =	seq.s32 s7, s2  }
0x1e: {  	s7 =	smul.u32 @!p0 $0xF7A, s2;
	p2 =	seq.s32 @!p0 s5, $0x0  }
0x1f: {  	s9 =	smul.u32 $0xF7A, s1;
	s8 =	simm.s32 @!p0 $0x1BF5;
	p2 =	por !p2, p0  }
0x20: {  	[sflag:s8] =	ssyncset.s32 @!p0 $0xFFFFF086;
	s6 =	sadd.s32 @!p0 s3, s7;
	s7 =	simm.s32 @!p0 $0x108  }
0x21: {  	s3 =	sadd.s32 s3, s9;
	s6 =	sadd.s32 @!p0 $0x88, s6;
	s7 =	simm.s32 @p2 $0x1082  }
0x22: {  	[simem:s7], [sflag:s8] =	dma.local @!p0 [hbm:s6], $0xF7A  }
0x23: {  	s9 =	sor.u32 $0xD0000000, s2;
	s6 =	simm.s32 $0x108;
	_ =	swait.ge @!p0 [sflag:s8], $0x0  }
0x24: {  	s3 =	sadd.s32 $0x88, s3;
	s6 =	simm.s32 @!p1 $0x1082;
	[sflag:s4] =	ssyncset.s32 $0xFFFFF086  }
0x25: {  	[simem:s6], [sflag:s4] =	dma.local [hbm:s3], $0xF7A  }
0x26: {  	[smem:$0x3F9F] =	sst s1;
	(tag) =	ssettag s2;
	_ =	strace s9  }
0x27: {  	s1 =	sld [smem:$0x3FAF]  }
0x28: {  	s2 =	sld [smem:$0x3FB0]  }
0x29: {  	s4 =	sld [smem:$0x3FB2]  }
0x2a: {  	p0 =	seq.s32 s5, $0x0;
	s5 =	sld [smem:$0x3FB3]  }
0x2b: {  	s6 =	sld [smem:$0x3FB4]  }
0x2c: {  	s7 =	sld [smem:$0x3FB5]  }
0x2d: {  	s3 =	simm.s32 $0x108;
	s8 =	sld [smem:$0x3FB6]  }
0x2e: {  	s3 =	simm.s32 @!p0 $0x1082;
	s9 =	sld [smem:$0x3FB7]  }
0x2f: {  	lr =	sadd.s32 s0, s3;
	s0 =	sld [smem:$0x3FAE]  }
0x30: {  	s3 =	sld [smem:$0x3FB1]  }
0x31: {  	[smem:$0x3FBA] =	sst s10  }
0x32: {  	s10 =	sld [smem:$0x3FB8];
	_ =	sdelay $0x3  }
0x33: {  	p0 =	seq.s32 s10, $0x1;
	s10 =	sld [smem:$0x3FBA];
	_ =	sdelay $0x3  }
0x34: {  	[smem:$0x3FBA] =	sst s10  }
0x35: {  	s10 =	sld [smem:$0x3FB9];
	_ =	sdelay $0x3  }
0x36: {  	p1 =	seq.s32 s10, $0x1;
	s10 =	sld [smem:$0x3FBA];
	_ =	sdelay $0x3  }
0x37: {  	[smem:$0x3FBA] =	sst s10  }
0x38: {  	s10 =	sld [smem:$0x3FBB]  }
0x39: {  	_ = 	snop;
	(pc) =	sbr.ind lr, $3  }
0x3a: {  	_ = 	snop  }
0x3b: {  	_ = 	snop  }
0x3c: {  	p2 =	seq.s32 s10, $0x1;
	s10 =	sld [smem:$0x3FBA]  }
0x3d: {  	_ =	shalt  }
0x3e: {  	_ =	shalt  }
0x3f: {  	_ =	shalt  }
0x40: {  	_ =	shalt  }
0x41: {  	_ =	shalt  }
0x42: {  	_ =	shalt  }
0x43: {  	_ =	shalt  }
0x44: {  	_ =	shalt  }
0x45: {  	_ =	shalt  }
0x46: {  	_ =	shalt  }
0x47: {  	_ =	shalt  }
0x48: {  	_ =	shalt  }
0x49: {  	_ =	shalt  }
0x4a: {  	_ =	shalt  }
0x4b: {  	_ =	shalt  }
0x4c: {  	_ =	shalt  }
0x4d: {  	_ =	shalt  }
0x4e: {  	_ =	shalt  }
0x4f: {  	_ =	shalt  }
0x50: {  	_ =	shalt  }
0x51: {  	_ =	shalt  }
0x52: {  	_ =	shalt  }
0x53: {  	_ =	shalt  }
0x54: {  	_ =	shalt  }
0x55: {  	_ =	shalt  }
0x56: {  	_ =	shalt  }
0x57: {  	_ =	shalt  }
0x58: {  	_ =	shalt  }
0x59: {  	_ =	shalt  }
0x5a: {  	_ =	shalt  }
0x5b: {  	_ =	shalt  }
0x5c: {  	_ =	shalt  }
0x5d: {  	_ =	shalt  }
0x5e: {  	_ =	shalt  }
0x5f: {  	_ =	shalt  }
0x60: {  	_ =	shalt  }
0x61: {  	_ =	shalt  }
0x62: {  	_ =	shalt  }
0x63: {  	_ =	shalt  }
0x64: {  	_ =	shalt  }
0x65: {  	_ =	shalt  }
0x66: {  	_ =	shalt  }
0x67: {  	_ =	shalt  }
0x68: {  	_ =	shalt  }
0x69: {  	_ =	shalt  }
0x6a: {  	_ =	shalt  }
0x6b: {  	_ =	shalt  }
0x6c: {  	_ =	shalt  }
0x6d: {  	_ =	shalt  }
0x6e: {  	_ =	shalt  }
0x6f: {  	_ =	shalt  }
0x70: {  	_ =	shalt  }
0x71: {  	_ =	shalt  }
0x72: {  	_ =	shalt  }
0x73: {  	_ =	shalt  }
0x74: {  	_ =	shalt  }
0x75: {  	_ =	shalt  }
0x76: {  	_ =	shalt  }
0x77: {  	_ =	shalt  }
0x78: {  	_ =	shalt  }
0x79: {  	_ =	shalt  }
0x7a: {  	_ =	shalt  }
0x7b: {  	_ =	shalt  }
0x7c: {  	_ =	shalt  }
0x7d: {  	_ =	shalt  }
0x7e: {  	_ =	shalt  }
0x7f: {  	_ =	shalt  }
0x80: {  	_ =	shalt  }
0x81: {  	_ =	shalt  }
0x82: {  	_ =	shalt  }
0x83: {  	_ =	shalt  }
0x84: {  	_ =	shalt  }
0x85: {  	_ =	shalt  }
0x86: {  	_ =	shalt  }
0x87: {  	_ =	shalt  }
.Lfunc_end0:
.L_simem_size_0:
called_computation.3_lowered:
.L_overlay_start_0:
0x88: {  	s2 =	sld [smem:$0x3FD9]  }
0x89: {  	s3 =	sld [smem:$0x3FFE];
	_ =	sdelay $0x1  }
0x8a: {  	s1 =	srdreg.scid  }
0x8b: {  	s0 =	sand.u32 $0x1, s1  }
0x8c: {  	s17 =	sshll.u32 s0, $0xA;
	s2 =	sadd.s32 s3, s2  }
0x8d: {  	s2 =	sadd.s32 s2, s17  }
0x8e: {  	[smem:$0x3FC6] =	sst s2  }
0x8f: {  	_ = 	snop  }
0x90: {  	(tm) =	ssettm $0x1  }
0x91: {  	s18 =	sld [smem:$0x3FFB];
	_ =	sdelay $0x3  }
0x92: {  	_ =	strace s18  }
0x93: {  	s2 =	sld [smem:$0x3FFC];
	_ =	sdelay $0x3  }
0x94: {  	_ =	strace s2  }
0x95: {  	s2 =	sld [smem:$0x3FFD];
	_ =	sdelay $0x3  }
0x96: {  	_ =	strace s2  }
0x97: {  	_ =	strace $0x8FFFFFFF  }
0x98: {  	s19 =	sld [smem:$0x3FDB];
	_ =	sdelay $0x1  }
0x99: {  	s20 =	simm.s32 $_scs_section_size  }
0x9a: {  	s4 =	simm.s32 $_size__tile_overlayer_lowered;
	s5 =	simm.s32 $_tile_overlayer_lowered  }
0x9b: {  	s6 =	simm.s32 $0x1BFF;
	s21 =	sshll.u32 s5, $0x1;
	s3 =	sadd.s32 s20, s19  }
0x9c: {  	s22 =	simm.s32 $0x0;
	s4 =	sshll.u32 s4, $0x1;
	s5 =	sadd.s32 s21, s3  }
0x9d: {  	[timem:s22], [sflag:s6] =	dma.local [hbm:s5], s4  }
0x9e: {  	_ =	swait.ge [sflag:s6], s4  }
0x9f: {  	s4 =	ssub.s32 $0x0, s4;
	[sflag:s6] =	ssyncset.done $0x0  }
0xa0: {  	[sflag:s6] =	ssyncadd.s32 s4;
	_ =	sdelay $0x1  }
0xa1: {  	s23 =	simm.s32 $0x1B8B  }
0xa2: {  	_ =	swait.ge [sflag:s23], $0x1  }
0xa3: {  	[sflag:s23] =	ssyncset.done $0x0  }
0xa4: {  	[sflag:s23] =	ssyncadd.s32 $0xFFFFFFFF  }
0xa5: {  	s4 =	sld [smem:$0x0]  }
0xa6: {  	s5 =	sand.u32 $0xFFFFFFFE, s1  }
0xa7: {  	p0 =	sne.s32 s1, s5  }
0xa8: {  	s5 =	sshll.u32 @p0 s5, $0xE  }
0xa9: {  	s5 =	sadd.s32 @p0 $0x11B8D, s5;
	s6 =	sshll.u32 @p0 s4, $0x11  }
0xaa: {  	s5 =	sor.u32 @p0 s6, s5  }
0xab: {  	[sflag:s5] =	ssyncadd.remote.s32 @p0 $0x1;
	_ =	sdelay $0x1  }
0xac: {  	s5 =	simm.s32 @p0 $0x1B8D  }
0xad: {  	_ =	swait.eq @p0 [sflag:s5], $0x1  }
0xae: {  	[sflag:s5] =	ssyncadd.s32 @p0 $0xFFFFFFFF  }
0xaf: {  	s6 =	sshll.u32 @!p0 s1, $0xE  }
0xb0: {  	s6 =	sor.u32 @!p0 $0x4000, s6;
	s5 =	simm.s32 @!p0 $0x1B8D  }
0xb1: {  	s4 =	sshll.u32 @!p0 s4, $0x11;
	s6 =	sadd.s32 @!p0 $0x11B8D, s6;
	_ =	swait.eq @!p0 [sflag:s5], $0x1  }
0xb2: {  	s4 =	sor.u32 @!p0 s4, s6;
	[sflag:s5] =	ssyncadd.s32 @!p0 $0xFFFFFFFF  }
0xb3: {  	s25 =	simm.s32 $0x1B8E;
	s24 =	sld [smem:$0x3FFE];
	[sflag:s4] =	ssyncadd.remote.s32 @!p0 $0x1  }
0xb4: {  	s26 =	simm.s32 $execute0_lowered;
	[smem:$0x3FD2] =	sst s25  }
0xb5: {  	s5 =	sshll.u32 s26, $0x1;
	_ =	strace $0x80000049;
	[dreg:$0x1] =	wrdreg $0xFFFFFFFF  }
0xb6: {  	s28 =	simm.s32 $_size_execute0_lowered;
	s3 =	sadd.s32 s3, s5;
	[dreg:$0x0] =	wrdreg $0x0  }
0xb7: {  	s5 =	sshll.u32 s28, $0x1;
	[dreg:$0x2] =	wrdreg s3  }
0xb8: {  	[dreg:$0x3] =	wrdreg s5  }
0xb9: {  	[dreg:$0x4] =	wrdreg $0xC0  }
0xba: {  	_ =	task [dreg:s22], $0x5FFFF  }
0xbb: {  	[dreg:$0x1] =	wrdreg $0xFFFFFFFF  }
0xbc: {  	[dreg:$0x0] =	wrdreg $0x60  }
0xbd: {  	[dreg:$0x2] =	wrdreg s24  }
0xbe: {  	[dreg:$0x3] =	wrdreg $0x81000  }
0xbf: {  	[dreg:$0x4] =	wrdreg $0xC  }
0xc0: {  	_ =	task.clear_ibuf [dreg:s22], $0x5FFFF;
	_ =	strace $0x90000049  }
0xc1: {  	s29 =	simm.s32 $0xC;
	_ =	strace $0x8000004B  }
0xc2: {  	_ =	swait.ge [sflag:s29], $0x1  }
0xc3: {  	[sflag:s29] =	ssyncadd.s32 $0xFFFFFFFF  }
0xc4: {  	_ =	strace $0x9000004B  }
0xc5: {  	_ =	sfence  }
0xc6: {  	s30 =	sld [smem:$0x0];
	_ =	sdelay $0x2  }
0xc7: {  	s31 =	sshll.u32 s1, $0xD;
	s1 =	sshrl.u32 s1, $0x2  }
0xc8: {  	s4 =	sand.u32 $0x4000, s31;
	s1 =	sadd.s32 s1, s30  }
0xc9: {  	s0 =	sor.u32 s4, s0;
	s1 =	sshll.u32 s1, $0x11  }
0xca: {  	s0 =	sor.u32 s1, s0  }
0xcb: {  	s0 =	sadd.s32 $0x8F2B, s0  }
0xcc: {  	[sflag:s0] =	ssyncadd.remote.s32 $0x1  }
0xcd: {  	_ =	sfence.sel $0xFFFF  }
0xce: {  	[dreg:$0x0] =	wrdreg $0xFFFFFFFF;
	(pc) =	sbr.abs _section_cstart, $3  }
0xcf: {  	[dreg:$0x1] =	wrdreg $0xFFFFFFFF  }
0xd0: {  	_ =	task.clear_ibuf [dreg:s22], $0x2FFFF;
	_ =	strace $0x9FFFFFFF  }
0xd1: {  	(tm) =	ssettm $0x7FFFFFFF  }
tec
execute0_lowered:
.L_overlay_start_1:
0x0: {  	(tag) =	ssettag $0x1  }
0x1: {  	s1 =	srdreg.scid  }
0x2: {  	s3 =	rddreg [dreg:$0x0];
	s4 =	stileid.u32;
	s5 =	sand.u32 $0x1, s1  }
0x3: {  	s6 =	sshll.u32 s4, $0x9;
	s7 =	sshll.u32 s5, $0x8;
	s5 =	ssub.s32 $0x2, s5  }
0x4: {  	s10 =	sadd.s32 $0x2A00, s3;
	s6 =	sor.u32 s7, s6;
	s8 =	sshrl.u32 s5, $0x1  }
0x5: {  	s7 =	sshrl.u32 s6, $0x3;
	s6 =	sshll.u32 s6, $0x4;
	s31 =	ssub.s32 s5, s8  }
0x6: {  	s7 =	sadd.s32 s7, s3;
	s3 =	sadd.s32 s6, s3;
	s6 =	smax.u32 s31, $0x1  }
0x7: {  	s2 =	rddreg [dreg:$0x1];
	s16 =	sadd.s32 $0xFFFFFFFF, s6  }
0x8: {  	s0 =	rddreg [dreg:$0x2];
	s11 =	simm.s32 $0x80;
	p2 =	sne.s32 s16, $0x0  }
.Ltmp0:
0x9: {  	s9 =	simm.s32 $0x100;
	s12 =	simm.s32 $0x1;
	(pc) =	sbr.rel @!p2 .LBB2_3-.Ltmp0, $4  }
0xa: {  	p1 =	por $0x0, $0x0;
	s1 =	simm.s32 $0x0;
	p0 =	sne.s32 s4, $0x0  }
0xb: {  	s4 =	simm.s32 $0x3;
	[smem:$0x7FF] =	sst s1;
	s13 =	sshrl.u32 @!p0 s2, $0x3  }
0xc: {  	_ =	strace $0x8000004A;
	s8 =	sadd.s32 $0x2AA00, s7;
	s5 =	sadd.s32 $0x2AE00, s3  }
0xd: {  	s3 =	sadd.s32 $0x2B600, s3;
	s6 =	simm.s32 $0x4100;
	s7 =	simm.s32 $0x2  }
0xe: {  	s14 =	simm.s32 @!p0 $0x1C03;
	s15 =	simm.s32 @!p0 $0x3  }
0xf: {  	[spmem:s13], [sflag:s14] =	dma.local @!p0 [hbm:s10], $0x8000  }
0x10: {  	_ =	swait.ge @!p0 [sflag:s15], $0x8000  }
0x11: {  	[sflag:s15] =	ssyncset.done @!p0 $0x0  }
0x12: {  	[sflag:s15] =	ssyncadd.s32 @!p0 $0xFFFF8000  }
0x13: {  	[bflag:$0x0] =	sbarrier.arrive $0xFFFF  }
0x14: {  	[tilespmem:s1], [sflag:$0x3] =	stream.linear.gather [hbm4b:s8+s1], $0x100, $0x38;
	[tilespmem:$0xC100] =	vst v63  }
0x15: {  	_ =	swait.ge [sflag:s4], $0x100  }
0x16: {  	[sflag:s4] =	ssyncset.done $0x0  }
0x17: {  	[sflag:s4] =	ssyncadd.s32 $0xFFFFFF00  }
0x18: {  	[tilespmem:s9], [sflag:$0x1] =	stream.indirect.gather [spmem:s2], $0x80, s1, s11, $0xb8;
	[tilespmem:$0xC100] =	vst v63  }
0x19: {  	_ = 	snop  }
0x1a: {  	[tilespmem:s6], [sflag:$0x2] =	stream.indirect.gather [spmem:s2], $0x80, s11, s11, $0xb8;
	[tilespmem:$0xC100] =	vst v63  }
0x1b: {  	_ =	swait.ge [sflag:s12], $0x4000  }
0x1c: {  	[sflag:s12] =	ssyncset.done $0x0  }
0x1d: {  	[sflag:s12] =	ssyncadd.s32 $0xFFFFC000  }
0x1e: {  	[hbm4b:s5+s1] =	stream.linear.scatter [tilespmem:s9], [sflag:$0x3], $0x4000, $0x38;
	[tilespmem:$0xC100] =	vst v63  }
0x1f: {  	_ =	swait.ge [sflag:s4], $0x4000  }
0x20: {  	[sflag:s4] =	ssyncset.done $0x0  }
0x21: {  	s16 =	sadd.s32 $0xFFFFFFFF, s16;
	[sflag:s4] =	ssyncadd.s32 $0xFFFFC000  }
0x22: {  	p2 =	sne.s32 s16, $0x0;
	_ =	swait.ge [sflag:s7], $0x4000  }
.Ltmp1:
0x23: {  	[sflag:s7] =	ssyncset.done $0x0;
	(pc) =	sbr.rel @!p2 .LBB2_3-.Ltmp1, $4  }
0x24: {  	[sflag:s7] =	ssyncadd.s32 $0xFFFFC000  }
0x25: {  	[hbm4b:s3+s1] =	stream.linear.scatter [tilespmem:s6], [sflag:$0x3], $0x4000, $0x38;
	[tilespmem:$0xC100] =	vst v63  }
0x26: {  	_ =	swait.ge [sflag:s4], $0x4000  }
0x27: {  	p1 =	por $0x1, $0x1;
	[sflag:s4] =	ssyncset.done $0x0  }
.LBB2_2:
0x28: {  	[sflag:s4] =	ssyncadd.s32 $0xFFFFC000  }
0x29: {  	[spmem:s13], [sflag:s14] =	dma.local @!p0 [hbm:s10], $0x8000  }
0x2a: {  	s16 =	sadd.s32 $0xFFFFFFFF, s16;
	_ =	swait.ge @!p0 [sflag:s15], $0x8000  }
0x2b: {  	p2 =	sne.s32 s16, $0x0;
	[sflag:s15] =	ssyncset.done @!p0 $0x0  }
0x2c: {  	[sflag:s15] =	ssyncadd.s32 @!p0 $0xFFFF8000  }
0x2d: {  	[bflag:$0x0] =	sbarrier.arrive $0xFFFF  }
0x2e: {  	[tilespmem:s1], [sflag:$0x3] =	stream.linear.gather [hbm4b:s8+s1], $0x100, $0x38;
	[tilespmem:$0xC100] =	vst v63  }
0x2f: {  	_ =	swait.ge [sflag:s4], $0x100  }
0x30: {  	[sflag:s4] =	ssyncset.done $0x0  }
0x31: {  	[sflag:s4] =	ssyncadd.s32 $0xFFFFFF00  }
0x32: {  	[tilespmem:s9], [sflag:$0x1] =	stream.indirect.gather [spmem:s2], $0x80, s1, s11, $0xb8;
	[tilespmem:$0xC100] =	vst v63  }
0x33: {  	_ = 	snop  }
0x34: {  	[tilespmem:s6], [sflag:$0x2] =	stream.indirect.gather [spmem:s2], $0x80, s11, s11, $0xb8;
	[tilespmem:$0xC100] =	vst v63  }
0x35: {  	_ =	swait.ge [sflag:s12], $0x4000  }
0x36: {  	[sflag:s12] =	ssyncset.done $0x0  }
0x37: {  	[sflag:s12] =	ssyncadd.s32 $0xFFFFC000  }
0x38: {  	[hbm4b:s5+s1] =	stream.linear.scatter [tilespmem:s9], [sflag:$0x3], $0x4000, $0x38;
	[tilespmem:$0xC100] =	vst v63  }
0x39: {  	_ =	swait.ge [sflag:s4], $0x4000  }
0x3a: {  	[sflag:s4] =	ssyncset.done $0x0  }
0x3b: {  	[sflag:s4] =	ssyncadd.s32 $0xFFFFC000  }
0x3c: {  	_ =	swait.ge [sflag:s7], $0x4000  }
.Ltmp2:
0x3d: {  	[sflag:s7] =	ssyncset.done $0x0;
	(pc) =	sbr.rel @p2 .LBB2_2-.Ltmp2, $4  }
0x3e: {  	[sflag:s7] =	ssyncadd.s32 $0xFFFFC000  }
0x3f: {  	[hbm4b:s3+s1] =	stream.linear.scatter [tilespmem:s6], [sflag:$0x3], $0x4000, $0x38;
	[tilespmem:$0xC100] =	vst v63  }
0x40: {  	_ =	swait.ge [sflag:s4], $0x4000  }
0x41: {  	[sflag:s4] =	ssyncset.done $0x0  }
.LBB2_3:
0x42: {  	s14 =	simm.s32 @!p0 $0x1C03;
	s15 =	simm.s32 @!p0 $0x3;
	[sflag:s4] =	ssyncadd.s32 @p1 $0xFFFFC000  }
0x43: {  	[spmem:s13], [sflag:s14] =	dma.local @!p0 [hbm:s10], $0x8000  }
0x44: {  	_ =	swait.ge @!p0 [sflag:s15], $0x8000  }
0x45: {  	[sflag:s15] =	ssyncset.done @!p0 $0x0  }
0x46: {  	[sflag:s15] =	ssyncadd.s32 @!p0 $0xFFFF8000  }
0x47: {  	[bflag:$0x0] =	sbarrier.arrive $0xFFFF  }
0x48: {  	[tilespmem:s1], [sflag:$0x3] =	stream.linear.gather [hbm4b:s8+s1], $0x100, $0x38;
	[tilespmem:$0xC100] =	vst v63  }
0x49: {  	_ =	swait.ge [sflag:s4], $0x100  }
0x4a: {  	[sflag:s4] =	ssyncset.done $0x0  }
0x4b: {  	[sflag:s4] =	ssyncadd.s32 $0xFFFFFF00  }
0x4c: {  	[tilespmem:s9], [sflag:$0x1] =	stream.indirect.gather [spmem:s2], $0x80, s1, s11, $0xb8;
	[tilespmem:$0xC100] =	vst v63  }
0x4d: {  	_ = 	snop  }
0x4e: {  	[tilespmem:s6], [sflag:$0x2] =	stream.indirect.gather [spmem:s2], $0x80, s11, s11, $0xb8;
	[tilespmem:$0xC100] =	vst v63  }
0x4f: {  	_ =	swait.ge [sflag:s12], $0x4000  }
0x50: {  	[sflag:s12] =	ssyncset.done $0x0  }
0x51: {  	[sflag:s12] =	ssyncadd.s32 $0xFFFFC000  }
0x52: {  	[hbm4b:s5+s1] =	stream.linear.scatter [tilespmem:s9], [sflag:$0x3], $0x4000, $0x38;
	[tilespmem:$0xC100] =	vst v63  }
0x53: {  	_ =	swait.ge [sflag:s4], $0x4000  }
0x54: {  	[sflag:s4] =	ssyncset.done $0x0  }
0x55: {  	[sflag:s4] =	ssyncadd.s32 $0xFFFFC000  }
0x56: {  	_ =	swait.ge [sflag:s7], $0x4000  }
0x57: {  	[sflag:s7] =	ssyncset.done $0x0  }
0x58: {  	[sflag:s7] =	ssyncadd.s32 $0xFFFFC000  }
0x59: {  	[hbm4b:s3+s1] =	stream.linear.scatter [tilespmem:s6], [sflag:$0x3], $0x4000, $0x38;
	[tilespmem:$0xC100] =	vst v63  }
0x5a: {  	_ =	swait.ge [sflag:s4], $0x4000  }
0x5b: {  	[sflag:s4] =	ssyncset.done $0x0  }
0x5c: {  	[sflag:s4] =	ssyncadd.s32 $0xFFFFC000  }
0x5d: {  	_ =	sfence.sel $0x180000  }
0x5e: {  	[bflag:$0x0] =	sbarrier.arrive $0xFFFF  }
0x5f: {  	_ =	strace $0x9000004A  }
0x60: {  	s0 =	sadd.s32 @!p0 $0x100000, s0;
	[bflag:$0x2] =	sbarrier.arrive $0xFFFF  }
0x61: {  	[sflag:s0] =	ssyncadd.tile.s32 @!p0 $0x1;
	_ =	shalt  }
.Lfunc_end2:
_tile_overlayer_lowered:
.L_overlay_start_2:
0x62: {  	(tag) =	ssettag $0x2  }
0x63: {  	s0 =	rddreg [dreg:$0x0];
	s2 =	stileid.u32  }
0x64: {  	s1 =	rddreg [dreg:$0x1];
	p0 =	sne.s32 s2, $0x0  }
0x65: {  	s3 =	rddreg [dreg:$0x2];
	[bflag:$0x3] =	sbarrier.arrive $0xFFFF;
	s2 =	simm.s32 @!p0 $0x1C03  }
0x66: {  	[timem:s3], [sflag:s2] =	dma.local @!p0 [hbm:s0], s1  }
0x67: {  	s0 =	simm.s32 @!p0 $0x3  }
0x68: {  	_ =	swait.ge @!p0 [sflag:s0], s1  }
0x69: {  	s1 =	ssub.s32 @!p0 $0x0, s1;
	[sflag:s0] =	ssyncset.done @!p0 $0x0  }
0x6a: {  	[sflag:s0] =	ssyncadd.s32 @!p0 s1  }
0x6b: {  	[bflag:$0x3] =	sbarrier.arrive $0xFFFF  }
0x6c: {  	_ =	shalt  }

</sc_bundles>
